<compile_context>
chip_gen: v7x
topology: tpu7x:2x2x1
jax: 0.10.2.dev20260603
libtpu: 0.0.44.dev20260713+nightly
codegen_flags: <defaults>
</compile_context>

<pallas_src>
import functools

import numpy as np

import jax
import jax.numpy as jnp
from jax import lax
from jax.experimental import pallas as pl
from jax.experimental.pallas import tpu as pltpu
from jax.experimental.pallas import tpu_sc as plsc

_N = 10000
_D = 128
_OUT = 128
_NC = 2
_NS = 16
_NW = _NC * _NS
_K = 112
_RSP = 10112


def _dense_body(x_ref, w_ref, o_ref):
    big = jnp.dot(x_ref[...], w_ref[...], preferred_element_type=jnp.float32)
    for et in range(3):
        base = et * 3 * _OUT
        msg = big[:, base:base + _OUT]
        gam = big[:, base + _OUT:base + 2 * _OUT]
        bet = big[:, base + 2 * _OUT:base + 3 * _OUT]
        o_ref[et] = jnp.maximum(gam * msg + bet, 0.0)


def _dense(x, wcat):
    br = 1000
    return pl.pallas_call(
        _dense_body,
        grid=(_N // br,),
        in_specs=[
            pl.BlockSpec((br, _D), lambda i: (i, 0)),
            pl.BlockSpec((_D, 9 * _OUT), lambda i: (0, 0)),
        ],
        out_specs=pl.BlockSpec((3, br, _OUT), lambda i: (0, i, 0)),
        out_shape=jax.ShapeDtypeStruct((3, _N, _OUT), jnp.float32),
    )(x, wcat)


def _scatter(m2, eidx):
    npair = eidx.shape[2] // 2
    mesh = plsc.VectorSubcoreMesh(core_axis_name="c", subcore_axis_name="s")

    @functools.partial(
        pl.kernel,
        mesh=mesh,
        out_type=jax.ShapeDtypeStruct((_NC, _RSP, _OUT), jnp.float32),
        scratch_types=[
            pltpu.VMEM((2, _K), jnp.int32),
            pltpu.VMEM((2, _K), jnp.int32),
            pltpu.VMEM((2, _K), jnp.int32),
            pltpu.VMEM((2, _K), jnp.int32),
            pltpu.VMEM((_K, _OUT), jnp.float32),
            pltpu.VMEM((_K, _OUT), jnp.float32),
            pltpu.VMEM_SHARED((_RSP, _OUT), jnp.float32),
            pltpu.SemaphoreType.DMA,
            pltpu.SemaphoreType.DMA,
            pltpu.SemaphoreType.DMA,
            pltpu.SemaphoreType.DMA,
        ],
    )
    def body(m_hbm, eidx_hbm, out_hbm,
             siA, diA, siB, diB, rows0, rows1, h_sp,
             g0, g1, isemA, isemB):
        cid = lax.axis_index("c")
        sid = lax.axis_index("s")
        w = sid * _NC + cid

        def fetch_pair(p, si, di, isem):
            pltpu.async_copy(eidx_hbm.at[0, w, pl.ds(2 * p, 2)], si, isem)
            pltpu.async_copy(eidx_hbm.at[1, w, pl.ds(2 * p, 2)], di, isem)

        def wait_pair(p, si, di, isem):
            pltpu.make_async_copy(
                eidx_hbm.at[0, w, pl.ds(2 * p, 2)], si, isem).wait()
            pltpu.make_async_copy(
                eidx_hbm.at[1, w, pl.ds(2 * p, 2)], di, isem).wait()

        fetch_pair(0, siA, diA, isemA)
        fetch_pair(1, siB, diB, isemB)

        def zb(t, c):
            i = t // (_OUT // 16)
            j = t % (_OUT // 16)
            rows1[i, pl.ds(j * 16, 16)] = jnp.zeros((16,), jnp.float32)
            return c

        lax.fori_loop(0, _K * (_OUT // 16), zb, 0)

        rows_per_sub = _RSP // _NS
        base = sid * rows_per_sub
        nfull = rows_per_sub // _K
        for t in range(nfull):
            pltpu.sync_copy(rows1, h_sp.at[pl.ds(base + t * _K, _K)])
        rem = rows_per_sub - nfull * _K
        if rem:
            pltpu.sync_copy(rows1.at[pl.ds(0, rem)],
                            h_sp.at[pl.ds(base + nfull * _K, rem)])
        plsc.subcore_barrier()

        wait_pair(0, siA, diA, isemA)
        pltpu.async_copy(m_hbm.at[siA.at[0]], rows0, g0)

        def do_pair(p, S_si, S_di, T_si, T_di, isemS, isemT):
            pltpu.async_copy(m_hbm.at[S_si.at[1]], rows1, g1)
            pltpu.make_async_copy(m_hbm.at[S_si.at[0]], rows0, g0).wait()
            pltpu.sync_copy(rows0, h_sp.at[S_di.at[0]], add=True)

            @pl.when(p + 1 < npair)
            def _():
                wait_pair(p + 1, T_si, T_di, isemT)
                pltpu.async_copy(m_hbm.at[T_si.at[0]], rows0, g0)

            pltpu.make_async_copy(m_hbm.at[S_si.at[1]], rows1, g1).wait()
            pltpu.sync_copy(rows1, h_sp.at[S_di.at[1]], add=True)

            @pl.when(p + 2 < npair)
            def _():
                fetch_pair(p + 2, S_si, S_di, isemS)

        def tbody(t, c):
            do_pair(2 * t, siA, diA, siB, diB, isemA, isemB)
            do_pair(2 * t + 1, siB, diB, siA, diA, isemB, isemA)
            return c

        lax.fori_loop(0, npair // 2, tbody, 0)
        plsc.subcore_barrier()

        pltpu.sync_copy(h_sp.at[pl.ds(base, rows_per_sub)],
                        out_hbm.at[cid, pl.ds(base, rows_per_sub)])

    return body(m2, eidx)


def _ln_body(p_ref, g_ref, b_ref, o_ref):
    h = p_ref[0] + p_ref[1]
    mean = jnp.mean(h, axis=-1, keepdims=True)
    cen = h - mean
    var = jnp.mean(cen * cen, axis=-1, keepdims=True)
    o_ref[...] = (cen / jnp.sqrt(var + 1e-5)) * g_ref[...] + b_ref[...]


def _ln(partials, g, b):
    br = 1000
    return pl.pallas_call(
        _ln_body,
        grid=(_N // br,),
        in_specs=[
            pl.BlockSpec((_NC, br, _OUT), lambda i: (0, i, 0)),

            pl.BlockSpec((1, _OUT), lambda i: (0, 0)),
            pl.BlockSpec((1, _OUT), lambda i: (0, 0)),
        ],
        out_specs=pl.BlockSpec((br, _OUT), lambda i: (i, 0)),
        out_shape=jax.ShapeDtypeStruct((_N, _OUT), jnp.float32),
    )(partials, g, b)


def kernel(x, edge_index_follows, edge_index_likes, edge_index_views,
           W_follows, W_likes, W_views,
           F_follows, F_likes, F_views,
           ln_gamma, ln_beta):
    wcat = jnp.concatenate(
        [W_follows, F_follows, W_likes, F_likes, W_views, F_views], axis=1)
    m = _dense(x, wcat)
    m2 = m.reshape(3 * _N, _OUT)

    stacked = jnp.concatenate([
        edge_index_follows.astype(jnp.int32),
        edge_index_likes.astype(jnp.int32) + jnp.array([[_N], [0]], jnp.int32),
        edge_index_views.astype(jnp.int32) + jnp.array([[2 * _N], [0]], jnp.int32),
    ], axis=1)

    e3 = stacked.shape[1]
    npair = -(-e3 // (_NW * 2 * _K))
    npair += npair % 2
    pad = _NW * npair * 2 * _K - e3
    if pad:
        pad_np = np.stack([np.zeros(pad, np.int32),
                           (_N + np.arange(pad) % (_RSP - _N)).astype(np.int32)])
        stacked = jnp.concatenate([stacked, jnp.asarray(pad_np)], axis=1)
    eidx = stacked.reshape(2, _NW, 2 * npair, _K)

    partials = _scatter(m2, eidx)
    return _ln(partials, ln_gamma.reshape(1, -1), ln_beta.reshape(1, -1))

# --- scband reference (transcript-rebuilt; emitter-appended) ---
"""Pipeline reference for scband-gnnfi-lmlayer-35158602285600 (READ-ONLY COPY).

The authoritative reference and input builder live on the scoring server;
editing this copy changes nothing except your own understanding.
"""

import jax, jax.numpy as jnp
import numpy as np

N = 10000
D = 128
OUT = 128
E = 100000
ETYPES = ["follows", "likes", "views"]


def setup_inputs(seed: int = 0) -> dict:
    key = jax.random.key(seed)
    ks = jax.random.split(key, 16)
    inp = {}
    inp["x"] = jax.random.normal(ks[0], (N, D), dtype=jnp.float32)
    for i, et in enumerate(ETYPES):
        inp[f"edge_index_{et}"] = jax.random.randint(ks[1 + i], (2, E), 0, N)
    for i, et in enumerate(ETYPES):
        inp[f"W_{et}"] = jax.random.normal(ks[4 + i], (D, OUT), dtype=jnp.float32) * (1.0 / np.sqrt(D))
        inp[f"F_{et}"] = jax.random.normal(ks[7 + i], (D, 2 * OUT), dtype=jnp.float32) * (1.0 / np.sqrt(D))
    inp["ln_gamma"] = jnp.ones((OUT,), dtype=jnp.float32)
    inp["ln_beta"] = jnp.zeros((OUT,), dtype=jnp.float32)
    return inp


def reference(x, edge_index_follows, edge_index_likes, edge_index_views,
              W_follows, W_likes, W_views,
              F_follows, F_likes, F_views,
              ln_gamma, ln_beta):
    # Homogeneous node set, 3 canonical edge types. Dropout is identity (eval mode).
    n = x.shape[0]
    out_size = W_follows.shape[1]
    h = jnp.zeros((n, out_size), dtype=x.dtype)
    for ei, W, Fm in ((edge_index_follows, W_follows, F_follows),
                      (edge_index_likes, W_likes, F_likes),
                      (edge_index_views, W_views, F_views)):
        messages = x @ W                      # W[etype](feat[srctype])
        film = x @ Fm                         # film[etype](feat[dsttype]) (same node set)
        gamma = film[:, :out_size]
        beta = film[:, out_size:]
        m = jax.nn.relu(gamma * messages + beta)
        src = ei[0]
        dst = ei[1]
        # copy_u + fn.sum: gather src messages, scatter-add at dst; multi_update_all 'sum'
        h = h.at[dst].add(m[src])
    # LayerNorm(out_size)
    mean = jnp.mean(h, axis=-1, keepdims=True)
    var = jnp.var(h, axis=-1, keepdims=True)
    hn = (h - mean) / jnp.sqrt(var + 1e-5)
    return hn * ln_gamma + ln_beta

if __name__ == "__main__":
    import jax
    _d = setup_inputs()
    print(jax.jit(kernel)(*tuple(_d.values())))

</pallas_src>

<mosaic_0001>
#map = affine_map<(d0, d1) -> (0, 0)>
#map1 = affine_map<(d0, d1) -> (0, 0, 0, 0)>
#map2 = affine_map<(d0, d1) -> (0, 0, 0)>
module attributes {stable_mosaic.version = 14 : i64} {
  func.func @body(%arg0: i32, %arg1: i32, %arg2: memref<30000x128xf32, #tpu.memory_space<hbm>>, %arg3: memref<2x32x84x112xi32, #tpu.memory_space<hbm>>, %arg4: memref<2x10112x128xf32, #tpu.memory_space<hbm>>, %arg5: memref<2x112xi32, #tpu.memory_space<vmem>>, %arg6: memref<2x112xi32, #tpu.memory_space<vmem>>, %arg7: memref<2x112xi32, #tpu.memory_space<vmem>>, %arg8: memref<2x112xi32, #tpu.memory_space<vmem>>, %arg9: memref<112x128xf32, #tpu.memory_space<vmem>>, %arg10: memref<112x128xf32, #tpu.memory_space<vmem>>, %arg11: memref<10112x128xf32, #tpu.memory_space<vmem_shared>>, %arg12: memref<!tpu.dma_semaphore, #tpu.memory_space<semaphore_mem>>, %arg13: memref<!tpu.dma_semaphore, #tpu.memory_space<semaphore_mem>>, %arg14: memref<!tpu.dma_semaphore, #tpu.memory_space<semaphore_mem>>, %arg15: memref<!tpu.dma_semaphore, #tpu.memory_space<semaphore_mem>>) attributes {dimension_semantics = [#tpu.dimension_semantics<core_parallel>, #tpu.dimension_semantics<subcore_parallel>], iteration_bounds = array<i64: 2, 16>, scalar_prefetch = 0 : i64, scratch_operands = 11 : i64, tpu.core_type = #tpu.core_type<sc_vector_subcore>, window_params = [{transform_indices = #map}, {transform_indices = #map1}, {transform_indices = #map2}]} {
    %mul3A = arith.constant 2 : i32
    %mul3A_0 = arith.muli %arg1, %mul3A : i32
    %add3A = arith.addi %mul3A_0, %arg0 : i32
    %dma_start3A = arith.constant 0 : i32
    %dma_start3A_1 = arith.constant 0 : i32
    %dma_start3A_2 = arith.constant 0 : i32
    %dma_start3A_3 = tpu.memref_slice %arg3[%dma_start3A, %add3A, %dma_start3A_1, %dma_start3A_2] : memref<2x32x84x112xi32, #tpu.memory_space<hbm>> -> memref<1x1x2x112xi32, #tpu.memory_space<hbm>>
    %dma_start3A_4 = tpu.memref_squeeze %dma_start3A_3 : memref<1x1x2x112xi32, #tpu.memory_space<hbm>> -> memref<2x112xi32, #tpu.memory_space<hbm>>
    %dma_start3A_5 = arith.constant 0 : i32
    %dma_start3A_6 = arith.constant 0 : i32
    %dma_start3A_7 = tpu.memref_slice %arg3[%dma_start3A, %add3A, %dma_start3A_5, %dma_start3A_6] : memref<2x32x84x112xi32, #tpu.memory_space<hbm>> -> memref<1x1x2x112xi32, #tpu.memory_space<hbm>>
    %dma_start3A_8 = tpu.memref_squeeze %dma_start3A_7 : memref<1x1x2x112xi32, #tpu.memory_space<hbm>> -> memref<2x112xi32, #tpu.memory_space<hbm>>
    tpu.enqueue_dma source(%dma_start3A_8 : memref<2x112xi32, #tpu.memory_space<hbm>>) target(%arg5 : memref<2x112xi32, #tpu.memory_space<vmem>>) target_semaphore(%arg14 : memref<!tpu.dma_semaphore, #tpu.memory_space<semaphore_mem>>)
    %dma_start3A_9 = arith.constant 1 : i32
    %dma_start3A_10 = arith.constant 0 : i32
    %dma_start3A_11 = arith.constant 0 : i32
    %dma_start3A_12 = tpu.memref_slice %arg3[%dma_start3A_9, %add3A, %dma_start3A_10, %dma_start3A_11] : memref<2x32x84x112xi32, #tpu.memory_space<hbm>> -> memref<1x1x2x112xi32, #tpu.memory_space<hbm>>
    %dma_start3A_13 = tpu.memref_squeeze %dma_start3A_12 : memref<1x1x2x112xi32, #tpu.memory_space<hbm>> -> memref<2x112xi32, #tpu.memory_space<hbm>>
    %dma_start3A_14 = arith.constant 0 : i32
    %dma_start3A_15 = arith.constant 0 : i32
    %dma_start3A_16 = tpu.memref_slice %arg3[%dma_start3A_9, %add3A, %dma_start3A_14, %dma_start3A_15] : memref<2x32x84x112xi32, #tpu.memory_space<hbm>> -> memref<1x1x2x112xi32, #tpu.memory_space<hbm>>
    %dma_start3A_17 = tpu.memref_squeeze %dma_start3A_16 : memref<1x1x2x112xi32, #tpu.memory_space<hbm>> -> memref<2x112xi32, #tpu.memory_space<hbm>>
    tpu.enqueue_dma source(%dma_start3A_17 : memref<2x112xi32, #tpu.memory_space<hbm>>) target(%arg6 : memref<2x112xi32, #tpu.memory_space<vmem>>) target_semaphore(%arg14 : memref<!tpu.dma_semaphore, #tpu.memory_space<semaphore_mem>>)
    %dma_start3A_18 = arith.constant 0 : i32
    %dma_start3A_19 = arith.constant 2 : i32
    %dma_start3A_20 = arith.constant 0 : i32
    %dma_start3A_21 = tpu.memref_slice %arg3[%dma_start3A_18, %add3A, %dma_start3A_19, %dma_start3A_20] : memref<2x32x84x112xi32, #tpu.memory_space<hbm>> -> memref<1x1x2x112xi32, #tpu.memory_space<hbm>>
    %dma_start3A_22 = tpu.memref_squeeze %dma_start3A_21 : memref<1x1x2x112xi32, #tpu.memory_space<hbm>> -> memref<2x112xi32, #tpu.memory_space<hbm>>
    %dma_start3A_23 = arith.constant 2 : i32
    %dma_start3A_24 = arith.constant 0 : i32
    %dma_start3A_25 = tpu.memref_slice %arg3[%dma_start3A_18, %add3A, %dma_start3A_23, %dma_start3A_24] : memref<2x32x84x112xi32, #tpu.memory_space<hbm>> -> memref<1x1x2x112xi32, #tpu.memory_space<hbm>>
    %dma_start3A_26 = tpu.memref_squeeze %dma_start3A_25 : memref<1x1x2x112xi32, #tpu.memory_space<hbm>> -> memref<2x112xi32, #tpu.memory_space<hbm>>
    tpu.enqueue_dma source(%dma_start3A_26 : memref<2x112xi32, #tpu.memory_space<hbm>>) target(%arg7 : memref<2x112xi32, #tpu.memory_space<vmem>>) target_semaphore(%arg15 : memref<!tpu.dma_semaphore, #tpu.memory_space<semaphore_mem>>)
    %dma_start3A_27 = arith.constant 1 : i32
    %dma_start3A_28 = arith.constant 2 : i32
    %dma_start3A_29 = arith.constant 0 : i32
    %dma_start3A_30 = tpu.memref_slice %arg3[%dma_start3A_27, %add3A, %dma_start3A_28, %dma_start3A_29] : memref<2x32x84x112xi32, #tpu.memory_space<hbm>> -> memref<1x1x2x112xi32, #tpu.memory_space<hbm>>
    %dma_start3A_31 = tpu.memref_squeeze %dma_start3A_30 : memref<1x1x2x112xi32, #tpu.memory_space<hbm>> -> memref<2x112xi32, #tpu.memory_space<hbm>>
    %dma_start3A_32 = arith.constant 2 : i32
    %dma_start3A_33 = arith.constant 0 : i32
    %dma_start3A_34 = tpu.memref_slice %arg3[%dma_start3A_27, %add3A, %dma_start3A_32, %dma_start3A_33] : memref<2x32x84x112xi32, #tpu.memory_space<hbm>> -> memref<1x1x2x112xi32, #tpu.memory_space<hbm>>
    %dma_start3A_35 = tpu.memref_squeeze %dma_start3A_34 : memref<1x1x2x112xi32, #tpu.memory_space<hbm>> -> memref<2x112xi32, #tpu.memory_space<hbm>>
    tpu.enqueue_dma source(%dma_start3A_35 : memref<2x112xi32, #tpu.memory_space<hbm>>) target(%arg8 : memref<2x112xi32, #tpu.memory_space<vmem>>) target_semaphore(%arg15 : memref<!tpu.dma_semaphore, #tpu.memory_space<semaphore_mem>>)
    %scan3A = arith.constant 0 : i32
    %scan3A_36 = arith.constant 0 : i32
    %scan3A_37 = arith.constant 896 : i32
    %scan3A_38 = arith.addi %scan3A_36, %scan3A_37 : i32
    %scan3A_39 = arith.constant 1 : i32
    scf.for %scan3A_86 = %scan3A_36 to %scan3A_38 step %scan3A_39  : i32 {
      %jit3A = arith.constant 8 : i32
      %div3A = arith.divsi %scan3A_86, %jit3A : i32
      %sign3A = arith.constant 0 : i32
      %sign3A_87 = arith.cmpi sgt, %scan3A_86, %sign3A : i32
      %sign3A_88 = arith.extui %sign3A_87 : i1 to i32
      %sign3A_89 = arith.constant 0 : i32
      %sign3A_90 = arith.cmpi slt, %scan3A_86, %sign3A_89 : i32
      %sign3A_91 = arith.extui %sign3A_90 : i1 to i32
      %sign3A_92 = arith.subi %sign3A_88, %sign3A_91 : i32
      %sign3A_93 = arith.constant 0 : i32
      %sign3A_94 = arith.cmpi sgt, %jit3A, %sign3A_93 : i32
      %sign3A_95 = arith.extui %sign3A_94 : i1 to i32
      %sign3A_96 = arith.constant 0 : i32
      %sign3A_97 = arith.cmpi slt, %jit3A, %sign3A_96 : i32
      %sign3A_98 = arith.extui %sign3A_97 : i1 to i32
      %sign3A_99 = arith.subi %sign3A_95, %sign3A_98 : i32
      %ne3A = arith.cmpi ne, %sign3A_92, %sign3A_99 : i32
      %rem3A = arith.remsi %scan3A_86, %jit3A : i32
      %ne3A_100 = arith.constant 0 : i32
      %ne3A_101 = arith.cmpi ne, %rem3A, %ne3A_100 : i32
      %and3A = arith.andi %ne3A, %ne3A_101 : i1
      %sub3A = arith.constant 1 : i32
      %sub3A_102 = arith.subi %div3A, %sub3A : i32
      %select_n3A = arith.select %and3A, %sub3A_102, %div3A : i32
      %jit3A_103 = arith.constant 8 : i32
      %eq3A = arith.constant 0 : i32
      %eq3A_104 = arith.cmpi eq, %jit3A_103, %eq3A : i32
      %jit3A_105 = arith.constant 1 : i32
      %select_n3A_106 = arith.select %eq3A_104, %jit3A_105, %jit3A_103 : i32
      %rem3A_107 = arith.remsi %scan3A_86, %select_n3A_106 : i32
      %ne3A_108 = arith.constant 0 : i32
      %ne3A_109 = arith.cmpi ne, %rem3A_107, %ne3A_108 : i32
      %lt3A = arith.constant 0 : i32
      %lt3A_110 = arith.cmpi slt, %rem3A_107, %lt3A : i32
      %lt3A_111 = arith.constant 0 : i32
      %lt3A_112 = arith.cmpi slt, %select_n3A_106, %lt3A_111 : i32
      %ne3A_113 = arith.xori %lt3A_110, %lt3A_112 : i1
      %and3A_114 = arith.andi %ne3A_113, %ne3A_109 : i1
      %add3A_115 = arith.addi %rem3A_107, %select_n3A_106 : i32
      %select_n3A_116 = arith.select %and3A_114, %add3A_115, %rem3A_107 : i32
      %broadcast_in_dim3A = arith.constant 0.000000e+00 : f32
      %broadcast_in_dim3A_117 = vector.broadcast %broadcast_in_dim3A : f32 to vector<16xf32>
      %mul3A_118 = arith.constant 16 : i32
      %mul3A_119 = arith.muli %select_n3A_116, %mul3A_118 : i32
      %swap3A = arith.index_cast %select_n3A : i32 to index
      %swap3A_120 = arith.index_cast %mul3A_119 : i32 to index
      %swap3A_121 = tpu.vector_load %arg10[%swap3A, %swap3A_120] {strides = array<i32>} : memref<112x128xf32, #tpu.memory_space<vmem>>, vector<1x16xf32>,
      %swap3A_122 = vector.shape_cast %swap3A_121 : vector<1x16xf32> to vector<16xf32>
      %swap3A_123 = vector.shape_cast %broadcast_in_dim3A_117 : vector<16xf32> to vector<1x16xf32>
      tpu.vector_store %arg10[%swap3A, %swap3A_120], %swap3A_123 {strides = array<i32>} : memref<112x128xf32, #tpu.memory_space<vmem>>, vector<1x16xf32>,
    }
    %scan3A_40 = arith.constant 896 : i32
    %mul3A_41 = arith.constant 632 : i32
    %mul3A_42 = arith.muli %arg1, %mul3A_41 : i32
    %add3A_43 = arith.constant 0 : i32
    %add3A_44 = arith.addi %mul3A_42, %add3A_43 : i32
    "tpu.region"() ({
      %run_scoped3A = tpu.sem_alloc : memref<!tpu.dma_semaphore, #tpu.memory_space<semaphore_mem>>
      %dma_start3A_86 = arith.constant 0 : i32
      %dma_start3A_87 = tpu.memref_slice %arg11[%add3A_44, %dma_start3A_86] : memref<10112x128xf32, #tpu.memory_space<vmem_shared>> -> memref<112x128xf32, #tpu.memory_space<vmem_shared>>
      %dma_start3A_88 = arith.constant 0 : i32
      %dma_start3A_89 = tpu.memref_slice %arg11[%add3A_44, %dma_start3A_88] : memref<10112x128xf32, #tpu.memory_space<vmem_shared>> -> memref<112x128xf32, #tpu.memory_space<vmem_shared>>
      tpu.enqueue_dma source(%arg10 : memref<112x128xf32, #tpu.memory_space<vmem>>) target(%dma_start3A_89 : memref<112x128xf32, #tpu.memory_space<vmem_shared>>) target_semaphore(%run_scoped3A : memref<!tpu.dma_semaphore, #tpu.memory_space<semaphore_mem>>)
      %dma_wait3A_90 = arith.constant 0 : i32
      %dma_wait3A_91 = tpu.memref_slice %arg11[%add3A_44, %dma_wait3A_90] : memref<10112x128xf32, #tpu.memory_space<vmem_shared>> -> memref<112x128xf32, #tpu.memory_space<vmem_shared>>
      %dma_wait3A_92 = arith.constant 0 : i32
      %dma_wait3A_93 = tpu.memref_slice %arg11[%add3A_44, %dma_wait3A_92] : memref<10112x128xf32, #tpu.memory_space<vmem_shared>> -> memref<112x128xf32, #tpu.memory_space<vmem_shared>>
      tpu.wait_dma2 semaphore(%run_scoped3A : memref<!tpu.dma_semaphore, #tpu.memory_space<semaphore_mem>>) src(%arg10 : memref<112x128xf32, #tpu.memory_space<vmem>>) dst(%dma_wait3A_93 : memref<112x128xf32, #tpu.memory_space<vmem_shared>>)
      tpu.yield
    }) : () -> ()
    %add3A_45 = arith.constant 112 : i32
    %add3A_46 = arith.addi %mul3A_42, %add3A_45 : i32
    "tpu.region"() ({
      %run_scoped3A = tpu.sem_alloc : memref<!tpu.dma_semaphore, #tpu.memory_space<semaphore_mem>>
      %dma_start3A_86 = arith.constant 0 : i32
      %dma_start3A_87 = tpu.memref_slice %arg11[%add3A_46, %dma_start3A_86] : memref<10112x128xf32, #tpu.memory_space<vmem_shared>> -> memref<112x128xf32, #tpu.memory_space<vmem_shared>>
      %dma_start3A_88 = arith.constant 0 : i32
      %dma_start3A_89 = tpu.memref_slice %arg11[%add3A_46, %dma_start3A_88] : memref<10112x128xf32, #tpu.memory_space<vmem_shared>> -> memref<112x128xf32, #tpu.memory_space<vmem_shared>>
      tpu.enqueue_dma source(%arg10 : memref<112x128xf32, #tpu.memory_space<vmem>>) target(%dma_start3A_89 : memref<112x128xf32, #tpu.memory_space<vmem_shared>>) target_semaphore(%run_scoped3A : memref<!tpu.dma_semaphore, #tpu.memory_space<semaphore_mem>>)
      %dma_wait3A_90 = arith.constant 0 : i32
      %dma_wait3A_91 = tpu.memref_slice %arg11[%add3A_46, %dma_wait3A_90] : memref<10112x128xf32, #tpu.memory_space<vmem_shared>> -> memref<112x128xf32, #tpu.memory_space<vmem_shared>>
      %dma_wait3A_92 = arith.constant 0 : i32
      %dma_wait3A_93 = tpu.memref_slice %arg11[%add3A_46, %dma_wait3A_92] : memref<10112x128xf32, #tpu.memory_space<vmem_shared>> -> memref<112x128xf32, #tpu.memory_space<vmem_shared>>
      tpu.wait_dma2 semaphore(%run_scoped3A : memref<!tpu.dma_semaphore, #tpu.memory_space<semaphore_mem>>) src(%arg10 : memref<112x128xf32, #tpu.memory_space<vmem>>) dst(%dma_wait3A_93 : memref<112x128xf32, #tpu.memory_space<vmem_shared>>)
      tpu.yield
    }) : () -> ()
    %add3A_47 = arith.constant 224 : i32
    %add3A_48 = arith.addi %mul3A_42, %add3A_47 : i32
    "tpu.region"() ({
      %run_scoped3A = tpu.sem_alloc : memref<!tpu.dma_semaphore, #tpu.memory_space<semaphore_mem>>
      %dma_start3A_86 = arith.constant 0 : i32
      %dma_start3A_87 = tpu.memref_slice %arg11[%add3A_48, %dma_start3A_86] : memref<10112x128xf32, #tpu.memory_space<vmem_shared>> -> memref<112x128xf32, #tpu.memory_space<vmem_shared>>
      %dma_start3A_88 = arith.constant 0 : i32
      %dma_start3A_89 = tpu.memref_slice %arg11[%add3A_48, %dma_start3A_88] : memref<10112x128xf32, #tpu.memory_space<vmem_shared>> -> memref<112x128xf32, #tpu.memory_space<vmem_shared>>
      tpu.enqueue_dma source(%arg10 : memref<112x128xf32, #tpu.memory_space<vmem>>) target(%dma_start3A_89 : memref<112x128xf32, #tpu.memory_space<vmem_shared>>) target_semaphore(%run_scoped3A : memref<!tpu.dma_semaphore, #tpu.memory_space<semaphore_mem>>)
      %dma_wait3A_90 = arith.constant 0 : i32
      %dma_wait3A_91 = tpu.memref_slice %arg11[%add3A_48, %dma_wait3A_90] : memref<10112x128xf32, #tpu.memory_space<vmem_shared>> -> memref<112x128xf32, #tpu.memory_space<vmem_shared>>
      %dma_wait3A_92 = arith.constant 0 : i32
      %dma_wait3A_93 = tpu.memref_slice %arg11[%add3A_48, %dma_wait3A_92] : memref<10112x128xf32, #tpu.memory_space<vmem_shared>> -> memref<112x128xf32, #tpu.memory_space<vmem_shared>>
      tpu.wait_dma2 semaphore(%run_scoped3A : memref<!tpu.dma_semaphore, #tpu.memory_space<semaphore_mem>>) src(%arg10 : memref<112x128xf32, #tpu.memory_space<vmem>>) dst(%dma_wait3A_93 : memref<112x128xf32, #tpu.memory_space<vmem_shared>>)
      tpu.yield
    }) : () -> ()
    %add3A_49 = arith.constant 336 : i32
    %add3A_50 = arith.addi %mul3A_42, %add3A_49 : i32
    "tpu.region"() ({
      %run_scoped3A = tpu.sem_alloc : memref<!tpu.dma_semaphore, #tpu.memory_space<semaphore_mem>>
      %dma_start3A_86 = arith.constant 0 : i32
      %dma_start3A_87 = tpu.memref_slice %arg11[%add3A_50, %dma_start3A_86] : memref<10112x128xf32, #tpu.memory_space<vmem_shared>> -> memref<112x128xf32, #tpu.memory_space<vmem_shared>>
      %dma_start3A_88 = arith.constant 0 : i32
      %dma_start3A_89 = tpu.memref_slice %arg11[%add3A_50, %dma_start3A_88] : memref<10112x128xf32, #tpu.memory_space<vmem_shared>> -> memref<112x128xf32, #tpu.memory_space<vmem_shared>>
      tpu.enqueue_dma source(%arg10 : memref<112x128xf32, #tpu.memory_space<vmem>>) target(%dma_start3A_89 : memref<112x128xf32, #tpu.memory_space<vmem_shared>>) target_semaphore(%run_scoped3A : memref<!tpu.dma_semaphore, #tpu.memory_space<semaphore_mem>>)
      %dma_wait3A_90 = arith.constant 0 : i32
      %dma_wait3A_91 = tpu.memref_slice %arg11[%add3A_50, %dma_wait3A_90] : memref<10112x128xf32, #tpu.memory_space<vmem_shared>> -> memref<112x128xf32, #tpu.memory_space<vmem_shared>>
      %dma_wait3A_92 = arith.constant 0 : i32
      %dma_wait3A_93 = tpu.memref_slice %arg11[%add3A_50, %dma_wait3A_92] : memref<10112x128xf32, #tpu.memory_space<vmem_shared>> -> memref<112x128xf32, #tpu.memory_space<vmem_shared>>
      tpu.wait_dma2 semaphore(%run_scoped3A : memref<!tpu.dma_semaphore, #tpu.memory_space<semaphore_mem>>) src(%arg10 : memref<112x128xf32, #tpu.memory_space<vmem>>) dst(%dma_wait3A_93 : memref<112x128xf32, #tpu.memory_space<vmem_shared>>)
      tpu.yield
    }) : () -> ()
    %add3A_51 = arith.constant 448 : i32
    %add3A_52 = arith.addi %mul3A_42, %add3A_51 : i32
    "tpu.region"() ({
      %run_scoped3A = tpu.sem_alloc : memref<!tpu.dma_semaphore, #tpu.memory_space<semaphore_mem>>
      %dma_start3A_86 = arith.constant 0 : i32
      %dma_start3A_87 = tpu.memref_slice %arg11[%add3A_52, %dma_start3A_86] : memref<10112x128xf32, #tpu.memory_space<vmem_shared>> -> memref<112x128xf32, #tpu.memory_space<vmem_shared>>
      %dma_start3A_88 = arith.constant 0 : i32
      %dma_start3A_89 = tpu.memref_slice %arg11[%add3A_52, %dma_start3A_88] : memref<10112x128xf32, #tpu.memory_space<vmem_shared>> -> memref<112x128xf32, #tpu.memory_space<vmem_shared>>
      tpu.enqueue_dma source(%arg10 : memref<112x128xf32, #tpu.memory_space<vmem>>) target(%dma_start3A_89 : memref<112x128xf32, #tpu.memory_space<vmem_shared>>) target_semaphore(%run_scoped3A : memref<!tpu.dma_semaphore, #tpu.memory_space<semaphore_mem>>)
      %dma_wait3A_90 = arith.constant 0 : i32
      %dma_wait3A_91 = tpu.memref_slice %arg11[%add3A_52, %dma_wait3A_90] : memref<10112x128xf32, #tpu.memory_space<vmem_shared>> -> memref<112x128xf32, #tpu.memory_space<vmem_shared>>
      %dma_wait3A_92 = arith.constant 0 : i32
      %dma_wait3A_93 = tpu.memref_slice %arg11[%add3A_52, %dma_wait3A_92] : memref<10112x128xf32, #tpu.memory_space<vmem_shared>> -> memref<112x128xf32, #tpu.memory_space<vmem_shared>>
      tpu.wait_dma2 semaphore(%run_scoped3A : memref<!tpu.dma_semaphore, #tpu.memory_space<semaphore_mem>>) src(%arg10 : memref<112x128xf32, #tpu.memory_space<vmem>>) dst(%dma_wait3A_93 : memref<112x128xf32, #tpu.memory_space<vmem_shared>>)
      tpu.yield
    }) : () -> ()
    %add3A_53 = arith.constant 560 : i32
    %add3A_54 = arith.addi %mul3A_42, %add3A_53 : i32
    "tpu.region"() ({
      %run_scoped3A = tpu.sem_alloc : memref<!tpu.dma_semaphore, #tpu.memory_space<semaphore_mem>>
      %dma_start3A_86 = arith.constant 0 : i32
      %dma_start3A_87 = arith.constant 0 : i32
      %dma_start3A_88 = tpu.memref_slice %arg10[%dma_start3A_86, %dma_start3A_87] : memref<112x128xf32, #tpu.memory_space<vmem>> -> memref<72x128xf32, #tpu.memory_space<vmem>>
      %dma_start3A_89 = arith.constant 0 : i32
      %dma_start3A_90 = tpu.memref_slice %arg11[%add3A_54, %dma_start3A_89] : memref<10112x128xf32, #tpu.memory_space<vmem_shared>> -> memref<72x128xf32, #tpu.memory_space<vmem_shared>>
      %dma_start3A_91 = arith.constant 0 : i32
      %dma_start3A_92 = tpu.memref_slice %arg11[%add3A_54, %dma_start3A_91] : memref<10112x128xf32, #tpu.memory_space<vmem_shared>> -> memref<72x128xf32, #tpu.memory_space<vmem_shared>>
      %dma_start3A_93 = arith.constant 0 : i32
      %dma_start3A_94 = arith.constant 0 : i32
      %dma_start3A_95 = tpu.memref_slice %arg10[%dma_start3A_93, %dma_start3A_94] : memref<112x128xf32, #tpu.memory_space<vmem>> -> memref<72x128xf32, #tpu.memory_space<vmem>>
      tpu.enqueue_dma source(%dma_start3A_95 : memref<72x128xf32, #tpu.memory_space<vmem>>) target(%dma_start3A_92 : memref<72x128xf32, #tpu.memory_space<vmem_shared>>) target_semaphore(%run_scoped3A : memref<!tpu.dma_semaphore, #tpu.memory_space<semaphore_mem>>)
      %dma_wait3A_96 = arith.constant 0 : i32
      %dma_wait3A_97 = arith.constant 0 : i32
      %dma_wait3A_98 = tpu.memref_slice %arg10[%dma_wait3A_96, %dma_wait3A_97] : memref<112x128xf32, #tpu.memory_space<vmem>> -> memref<72x128xf32, #tpu.memory_space<vmem>>
      %dma_wait3A_99 = arith.constant 0 : i32
      %dma_wait3A_100 = tpu.memref_slice %arg11[%add3A_54, %dma_wait3A_99] : memref<10112x128xf32, #tpu.memory_space<vmem_shared>> -> memref<72x128xf32, #tpu.memory_space<vmem_shared>>
      %dma_wait3A_101 = arith.constant 0 : i32
      %dma_wait3A_102 = tpu.memref_slice %arg11[%add3A_54, %dma_wait3A_101] : memref<10112x128xf32, #tpu.memory_space<vmem_shared>> -> memref<72x128xf32, #tpu.memory_space<vmem_shared>>
      %dma_wait3A_103 = arith.constant 0 : i32
      %dma_wait3A_104 = arith.constant 0 : i32
      %dma_wait3A_105 = tpu.memref_slice %arg10[%dma_wait3A_103, %dma_wait3A_104] : memref<112x128xf32, #tpu.memory_space<vmem>> -> memref<72x128xf32, #tpu.memory_space<vmem>>
      tpu.wait_dma2 semaphore(%run_scoped3A : memref<!tpu.dma_semaphore, #tpu.memory_space<semaphore_mem>>) src(%dma_wait3A_105 : memref<72x128xf32, #tpu.memory_space<vmem>>) dst(%dma_wait3A_102 : memref<72x128xf32, #tpu.memory_space<vmem_shared>>)
      tpu.yield
    }) : () -> ()
    %barrier3A = arith.constant 0 : index
    tpu.barrier barrier_id(%barrier3A)
    %dma_wait3A = arith.constant 0 : i32
    %dma_wait3A_55 = arith.constant 0 : i32
    %dma_wait3A_56 = arith.constant 0 : i32
    %dma_wait3A_57 = tpu.memref_slice %arg3[%dma_wait3A, %add3A, %dma_wait3A_55, %dma_wait3A_56] : memref<2x32x84x112xi32, #tpu.memory_space<hbm>> -> memref<1x1x2x112xi32, #tpu.memory_space<hbm>>
    %dma_wait3A_58 = tpu.memref_squeeze %dma_wait3A_57 : memref<1x1x2x112xi32, #tpu.memory_space<hbm>> -> memref<2x112xi32, #tpu.memory_space<hbm>>
    %dma_wait3A_59 = arith.constant 0 : i32
    %dma_wait3A_60 = arith.constant 0 : i32
    %dma_wait3A_61 = tpu.memref_slice %arg3[%dma_wait3A, %add3A, %dma_wait3A_59, %dma_wait3A_60] : memref<2x32x84x112xi32, #tpu.memory_space<hbm>> -> memref<1x1x2x112xi32, #tpu.memory_space<hbm>>
    %dma_wait3A_62 = tpu.memref_squeeze %dma_wait3A_61 : memref<1x1x2x112xi32, #tpu.memory_space<hbm>> -> memref<2x112xi32, #tpu.memory_space<hbm>>
    tpu.wait_dma2 semaphore(%arg14 : memref<!tpu.dma_semaphore, #tpu.memory_space<semaphore_mem>>) src(%dma_wait3A_62 : memref<2x112xi32, #tpu.memory_space<hbm>>) dst(%arg5 : memref<2x112xi32, #tpu.memory_space<vmem>>)
    %dma_wait3A_63 = arith.constant 1 : i32
    %dma_wait3A_64 = arith.constant 0 : i32
    %dma_wait3A_65 = arith.constant 0 : i32
    %dma_wait3A_66 = tpu.memref_slice %arg3[%dma_wait3A_63, %add3A, %dma_wait3A_64, %dma_wait3A_65] : memref<2x32x84x112xi32, #tpu.memory_space<hbm>> -> memref<1x1x2x112xi32, #tpu.memory_space<hbm>>
    %dma_wait3A_67 = tpu.memref_squeeze %dma_wait3A_66 : memref<1x1x2x112xi32, #tpu.memory_space<hbm>> -> memref<2x112xi32, #tpu.memory_space<hbm>>
    %dma_wait3A_68 = arith.constant 0 : i32
    %dma_wait3A_69 = arith.constant 0 : i32
    %dma_wait3A_70 = tpu.memref_slice %arg3[%dma_wait3A_63, %add3A, %dma_wait3A_68, %dma_wait3A_69] : memref<2x32x84x112xi32, #tpu.memory_space<hbm>> -> memref<1x1x2x112xi32, #tpu.memory_space<hbm>>
    %dma_wait3A_71 = tpu.memref_squeeze %dma_wait3A_70 : memref<1x1x2x112xi32, #tpu.memory_space<hbm>> -> memref<2x112xi32, #tpu.memory_space<hbm>>
    tpu.wait_dma2 semaphore(%arg14 : memref<!tpu.dma_semaphore, #tpu.memory_space<semaphore_mem>>) src(%dma_wait3A_71 : memref<2x112xi32, #tpu.memory_space<hbm>>) dst(%arg6 : memref<2x112xi32, #tpu.memory_space<vmem>>)
    %dma_start3A_72 = arith.constant 0 : i32
    %dma_start3A_73 = arith.constant 0 : i32
    %dma_start3A_74 = tpu.memref_slice %arg5[%dma_start3A_72, %dma_start3A_73] : memref<2x112xi32, #tpu.memory_space<vmem>> -> memref<1x112xi32, #tpu.memory_space<vmem>>
    %dma_start3A_75 = tpu.memref_squeeze %dma_start3A_74 : memref<1x112xi32, #tpu.memory_space<vmem>> -> memref<112xi32, #tpu.memory_space<vmem>>
    %dma_start3A_76 = arith.constant 0 : i32
    %dma_start3A_77 = arith.constant 0 : i32
    %dma_start3A_78 = tpu.memref_slice %arg2[%dma_start3A_76, %dma_start3A_77] : memref<30000x128xf32, #tpu.memory_space<hbm>> -> memref<30000x128xf32, #tpu.memory_space<hbm>>
    tpu.enqueue_indirect_dma source(%dma_start3A_78 : memref<30000x128xf32, #tpu.memory_space<hbm>>) target(%arg9 : memref<112x128xf32, #tpu.memory_space<vmem>>) offsets(%dma_start3A_75 : memref<112xi32, #tpu.memory_space<vmem>>) semaphore(%arg12 : memref<!tpu.dma_semaphore, #tpu.memory_space<semaphore_mem>>)
    %scan3A_79 = arith.constant 0 : i32
    %scan3A_80 = arith.constant 0 : i32
    %scan3A_81 = arith.constant 21 : i32
    %scan3A_82 = arith.addi %scan3A_80, %scan3A_81 : i32
    %scan3A_83 = arith.constant 1 : i32
    scf.for %scan3A_86 = %scan3A_80 to %scan3A_82 step %scan3A_83  : i32 {
      %mul3A_87 = arith.constant 2 : i32
      %mul3A_88 = arith.muli %mul3A_87, %scan3A_86 : i32
      %dma_start3A_89 = arith.constant 1 : i32
      %dma_start3A_90 = arith.constant 0 : i32
      %dma_start3A_91 = tpu.memref_slice %arg5[%dma_start3A_89, %dma_start3A_90] : memref<2x112xi32, #tpu.memory_space<vmem>> -> memref<1x112xi32, #tpu.memory_space<vmem>>
      %dma_start3A_92 = tpu.memref_squeeze %dma_start3A_91 : memref<1x112xi32, #tpu.memory_space<vmem>> -> memref<112xi32, #tpu.memory_space<vmem>>
      %dma_start3A_93 = arith.constant 0 : i32
      %dma_start3A_94 = arith.constant 0 : i32
      %dma_start3A_95 = tpu.memref_slice %arg2[%dma_start3A_93, %dma_start3A_94] : memref<30000x128xf32, #tpu.memory_space<hbm>> -> memref<30000x128xf32, #tpu.memory_space<hbm>>
      tpu.enqueue_indirect_dma source(%dma_start3A_95 : memref<30000x128xf32, #tpu.memory_space<hbm>>) target(%arg10 : memref<112x128xf32, #tpu.memory_space<vmem>>) offsets(%dma_start3A_92 : memref<112xi32, #tpu.memory_space<vmem>>) semaphore(%arg13 : memref<!tpu.dma_semaphore, #tpu.memory_space<semaphore_mem>>)
      %dma_wait3A_96 = arith.constant 0 : i32
      %dma_wait3A_97 = arith.constant 0 : i32
      %dma_wait3A_98 = tpu.memref_slice %arg5[%dma_wait3A_96, %dma_wait3A_97] : memref<2x112xi32, #tpu.memory_space<vmem>> -> memref<1x112xi32, #tpu.memory_space<vmem>>
      %dma_wait3A_99 = tpu.memref_squeeze %dma_wait3A_98 : memref<1x112xi32, #tpu.memory_space<vmem>> -> memref<112xi32, #tpu.memory_space<vmem>>
      %dma_wait3A_100 = arith.constant 0 : i32
      %dma_wait3A_101 = arith.constant 0 : i32
      %dma_wait3A_102 = tpu.memref_slice %arg2[%dma_wait3A_100, %dma_wait3A_101] : memref<30000x128xf32, #tpu.memory_space<hbm>> -> memref<30000x128xf32, #tpu.memory_space<hbm>>
      tpu.wait_indirect_dma semaphore(%arg12 : memref<!tpu.dma_semaphore, #tpu.memory_space<semaphore_mem>>) src(%dma_wait3A_102 : memref<30000x128xf32, #tpu.memory_space<hbm>>) dst(%arg9 : memref<112x128xf32, #tpu.memory_space<vmem>>)
      %run_scoped3A = arith.constant 0 : i32
      "tpu.region"() ({
        %run_scoped3A_163 = tpu.sem_alloc : memref<!tpu.dma_semaphore, #tpu.memory_space<semaphore_mem>>
        %dma_start3A_164 = arith.constant 0 : i32
        %dma_start3A_165 = tpu.memref_slice %arg6[%run_scoped3A, %dma_start3A_164] : memref<2x112xi32, #tpu.memory_space<vmem>> -> memref<1x112xi32, #tpu.memory_space<vmem>>
        %dma_start3A_166 = tpu.memref_squeeze %dma_start3A_165 : memref<1x112xi32, #tpu.memory_space<vmem>> -> memref<112xi32, #tpu.memory_space<vmem>>
        %dma_start3A_167 = arith.constant 0 : i32
        %dma_start3A_168 = arith.constant 0 : i32
        %dma_start3A_169 = tpu.memref_slice %arg11[%dma_start3A_167, %dma_start3A_168] : memref<10112x128xf32, #tpu.memory_space<vmem_shared>> -> memref<10112x128xf32, #tpu.memory_space<vmem_shared>>
        tpu.enqueue_indirect_dma source(%arg9 : memref<112x128xf32, #tpu.memory_space<vmem>>) target(%dma_start3A_169 : memref<10112x128xf32, #tpu.memory_space<vmem_shared>>) offsets(%dma_start3A_166 : memref<112xi32, #tpu.memory_space<vmem>>) semaphore(%run_scoped3A_163 : memref<!tpu.dma_semaphore, #tpu.memory_space<semaphore_mem>>) {add = true}
        %dma_wait3A_170 = arith.constant 0 : i32
        %dma_wait3A_171 = tpu.memref_slice %arg6[%run_scoped3A, %dma_wait3A_170] : memref<2x112xi32, #tpu.memory_space<vmem>> -> memref<1x112xi32, #tpu.memory_space<vmem>>
        %dma_wait3A_172 = tpu.memref_squeeze %dma_wait3A_171 : memref<1x112xi32, #tpu.memory_space<vmem>> -> memref<112xi32, #tpu.memory_space<vmem>>
        %dma_wait3A_173 = arith.constant 0 : i32
        %dma_wait3A_174 = arith.constant 0 : i32
        %dma_wait3A_175 = tpu.memref_slice %arg11[%dma_wait3A_173, %dma_wait3A_174] : memref<10112x128xf32, #tpu.memory_space<vmem_shared>> -> memref<10112x128xf32, #tpu.memory_space<vmem_shared>>
        tpu.wait_indirect_dma semaphore(%run_scoped3A_163 : memref<!tpu.dma_semaphore, #tpu.memory_space<semaphore_mem>>) src(%arg9 : memref<112x128xf32, #tpu.memory_space<vmem>>) dst(%dma_wait3A_175 : memref<10112x128xf32, #tpu.memory_space<vmem_shared>>)
        tpu.yield
      }) : () -> ()
      %add3A_103 = arith.constant 1 : i32
      %add3A_104 = arith.addi %mul3A_88, %add3A_103 : i32
      %lt3A = arith.constant 42 : i32
      %lt3A_105 = arith.cmpi slt, %add3A_104, %lt3A : i32
      %convert_element_type3A = arith.extui %lt3A_105 : i1 to i32
      %cond3A = arith.constant 0 : i32
      %cond3A_106 = arith.cmpi ne, %convert_element_type3A, %cond3A : i32
      scf.if %cond3A_106 {
        %add3A_163 = arith.constant 1 : i32
        %add3A_164 = arith.addi %mul3A_88, %add3A_163 : i32
        %mul3A_165 = arith.constant 2 : i32
        %mul3A_166 = arith.muli %mul3A_165, %add3A_164 : i32
        %dma_wait3A_167 = arith.constant 0 : i32
        %dma_wait3A_168 = arith.constant 0 : i32
        %dma_wait3A_169 = tpu.memref_slice %arg3[%dma_wait3A_167, %add3A, %mul3A_166, %dma_wait3A_168] : memref<2x32x84x112xi32, #tpu.memory_space<hbm>> -> memref<1x1x2x112xi32, #tpu.memory_space<hbm>>
        %dma_wait3A_170 = tpu.memref_squeeze %dma_wait3A_169 : memref<1x1x2x112xi32, #tpu.memory_space<hbm>> -> memref<2x112xi32, #tpu.memory_space<hbm>>
        %dma_wait3A_171 = arith.constant 0 : i32
        %dma_wait3A_172 = tpu.memref_slice %arg3[%dma_wait3A_167, %add3A, %mul3A_166, %dma_wait3A_171] : memref<2x32x84x112xi32, #tpu.memory_space<hbm>> -> memref<1x1x2x112xi32, #tpu.memory_space<hbm>>
        %dma_wait3A_173 = tpu.memref_squeeze %dma_wait3A_172 : memref<1x1x2x112xi32, #tpu.memory_space<hbm>> -> memref<2x112xi32, #tpu.memory_space<hbm>>
        tpu.wait_dma2 semaphore(%arg15 : memref<!tpu.dma_semaphore, #tpu.memory_space<semaphore_mem>>) src(%dma_wait3A_173 : memref<2x112xi32, #tpu.memory_space<hbm>>) dst(%arg7 : memref<2x112xi32, #tpu.memory_space<vmem>>)
        %mul3A_174 = arith.constant 2 : i32
        %mul3A_175 = arith.muli %mul3A_174, %add3A_164 : i32
        %dma_wait3A_176 = arith.constant 1 : i32
        %dma_wait3A_177 = arith.constant 0 : i32
        %dma_wait3A_178 = tpu.memref_slice %arg3[%dma_wait3A_176, %add3A, %mul3A_175, %dma_wait3A_177] : memref<2x32x84x112xi32, #tpu.memory_space<hbm>> -> memref<1x1x2x112xi32, #tpu.memory_space<hbm>>
        %dma_wait3A_179 = tpu.memref_squeeze %dma_wait3A_178 : memref<1x1x2x112xi32, #tpu.memory_space<hbm>> -> memref<2x112xi32, #tpu.memory_space<hbm>>
        %dma_wait3A_180 = arith.constant 0 : i32
        %dma_wait3A_181 = tpu.memref_slice %arg3[%dma_wait3A_176, %add3A, %mul3A_175, %dma_wait3A_180] : memref<2x32x84x112xi32, #tpu.memory_space<hbm>> -> memref<1x1x2x112xi32, #tpu.memory_space<hbm>>
        %dma_wait3A_182 = tpu.memref_squeeze %dma_wait3A_181 : memref<1x1x2x112xi32, #tpu.memory_space<hbm>> -> memref<2x112xi32, #tpu.memory_space<hbm>>
        tpu.wait_dma2 semaphore(%arg15 : memref<!tpu.dma_semaphore, #tpu.memory_space<semaphore_mem>>) src(%dma_wait3A_182 : memref<2x112xi32, #tpu.memory_space<hbm>>) dst(%arg8 : memref<2x112xi32, #tpu.memory_space<vmem>>)
        %dma_start3A_183 = arith.constant 0 : i32
        %dma_start3A_184 = arith.constant 0 : i32
        %dma_start3A_185 = tpu.memref_slice %arg7[%dma_start3A_183, %dma_start3A_184] : memref<2x112xi32, #tpu.memory_space<vmem>> -> memref<1x112xi32, #tpu.memory_space<vmem>>
        %dma_start3A_186 = tpu.memref_squeeze %dma_start3A_185 : memref<1x112xi32, #tpu.memory_space<vmem>> -> memref<112xi32, #tpu.memory_space<vmem>>
        %dma_start3A_187 = arith.constant 0 : i32
        %dma_start3A_188 = arith.constant 0 : i32
        %dma_start3A_189 = tpu.memref_slice %arg2[%dma_start3A_187, %dma_start3A_188] : memref<30000x128xf32, #tpu.memory_space<hbm>> -> memref<30000x128xf32, #tpu.memory_space<hbm>>
        tpu.enqueue_indirect_dma source(%dma_start3A_189 : memref<30000x128xf32, #tpu.memory_space<hbm>>) target(%arg9 : memref<112x128xf32, #tpu.memory_space<vmem>>) offsets(%dma_start3A_186 : memref<112xi32, #tpu.memory_space<vmem>>) semaphore(%arg12 : memref<!tpu.dma_semaphore, #tpu.memory_space<semaphore_mem>>)
      } else {
      }
      %dma_wait3A_107 = arith.constant 1 : i32
      %dma_wait3A_108 = arith.constant 0 : i32
      %dma_wait3A_109 = tpu.memref_slice %arg5[%dma_wait3A_107, %dma_wait3A_108] : memref<2x112xi32, #tpu.memory_space<vmem>> -> memref<1x112xi32, #tpu.memory_space<vmem>>
      %dma_wait3A_110 = tpu.memref_squeeze %dma_wait3A_109 : memref<1x112xi32, #tpu.memory_space<vmem>> -> memref<112xi32, #tpu.memory_space<vmem>>
      %dma_wait3A_111 = arith.constant 0 : i32
      %dma_wait3A_112 = arith.constant 0 : i32
      %dma_wait3A_113 = tpu.memref_slice %arg2[%dma_wait3A_111, %dma_wait3A_112] : memref<30000x128xf32, #tpu.memory_space<hbm>> -> memref<30000x128xf32, #tpu.memory_space<hbm>>
      tpu.wait_indirect_dma semaphore(%arg13 : memref<!tpu.dma_semaphore, #tpu.memory_space<semaphore_mem>>) src(%dma_wait3A_113 : memref<30000x128xf32, #tpu.memory_space<hbm>>) dst(%arg10 : memref<112x128xf32, #tpu.memory_space<vmem>>)
      %run_scoped3A_114 = arith.constant 1 : i32
      "tpu.region"() ({
        %run_scoped3A_163 = tpu.sem_alloc : memref<!tpu.dma_semaphore, #tpu.memory_space<semaphore_mem>>
        %dma_start3A_164 = arith.constant 0 : i32
        %dma_start3A_165 = tpu.memref_slice %arg6[%run_scoped3A_114, %dma_start3A_164] : memref<2x112xi32, #tpu.memory_space<vmem>> -> memref<1x112xi32, #tpu.memory_space<vmem>>
        %dma_start3A_166 = tpu.memref_squeeze %dma_start3A_165 : memref<1x112xi32, #tpu.memory_space<vmem>> -> memref<112xi32, #tpu.memory_space<vmem>>
        %dma_start3A_167 = arith.constant 0 : i32
        %dma_start3A_168 = arith.constant 0 : i32
        %dma_start3A_169 = tpu.memref_slice %arg11[%dma_start3A_167, %dma_start3A_168] : memref<10112x128xf32, #tpu.memory_space<vmem_shared>> -> memref<10112x128xf32, #tpu.memory_space<vmem_shared>>
        tpu.enqueue_indirect_dma source(%arg10 : memref<112x128xf32, #tpu.memory_space<vmem>>) target(%dma_start3A_169 : memref<10112x128xf32, #tpu.memory_space<vmem_shared>>) offsets(%dma_start3A_166 : memref<112xi32, #tpu.memory_space<vmem>>) semaphore(%run_scoped3A_163 : memref<!tpu.dma_semaphore, #tpu.memory_space<semaphore_mem>>) {add = true}
        %dma_wait3A_170 = arith.constant 0 : i32
        %dma_wait3A_171 = tpu.memref_slice %arg6[%run_scoped3A_114, %dma_wait3A_170] : memref<2x112xi32, #tpu.memory_space<vmem>> -> memref<1x112xi32, #tpu.memory_space<vmem>>
        %dma_wait3A_172 = tpu.memref_squeeze %dma_wait3A_171 : memref<1x112xi32, #tpu.memory_space<vmem>> -> memref<112xi32, #tpu.memory_space<vmem>>
        %dma_wait3A_173 = arith.constant 0 : i32
        %dma_wait3A_174 = arith.constant 0 : i32
        %dma_wait3A_175 = tpu.memref_slice %arg11[%dma_wait3A_173, %dma_wait3A_174] : memref<10112x128xf32, #tpu.memory_space<vmem_shared>> -> memref<10112x128xf32, #tpu.memory_space<vmem_shared>>
        tpu.wait_indirect_dma semaphore(%run_scoped3A_163 : memref<!tpu.dma_semaphore, #tpu.memory_space<semaphore_mem>>) src(%arg10 : memref<112x128xf32, #tpu.memory_space<vmem>>) dst(%dma_wait3A_175 : memref<10112x128xf32, #tpu.memory_space<vmem_shared>>)
        tpu.yield
      }) : () -> ()
      %add3A_115 = arith.constant 2 : i32
      %add3A_116 = arith.addi %mul3A_88, %add3A_115 : i32
      %lt3A_117 = arith.constant 42 : i32
      %lt3A_118 = arith.cmpi slt, %add3A_116, %lt3A_117 : i32
      %convert_element_type3A_119 = arith.extui %lt3A_118 : i1 to i32
      %cond3A_120 = arith.constant 0 : i32
      %cond3A_121 = arith.cmpi ne, %convert_element_type3A_119, %cond3A_120 : i32
      scf.if %cond3A_121 {
        %add3A_163 = arith.constant 2 : i32
        %add3A_164 = arith.addi %mul3A_88, %add3A_163 : i32
        %mul3A_165 = arith.constant 2 : i32
        %mul3A_166 = arith.muli %mul3A_165, %add3A_164 : i32
        %dma_start3A_167 = arith.constant 0 : i32
        %dma_start3A_168 = arith.constant 0 : i32
        %dma_start3A_169 = tpu.memref_slice %arg3[%dma_start3A_167, %add3A, %mul3A_166, %dma_start3A_168] : memref<2x32x84x112xi32, #tpu.memory_space<hbm>> -> memref<1x1x2x112xi32, #tpu.memory_space<hbm>>
        %dma_start3A_170 = tpu.memref_squeeze %dma_start3A_169 : memref<1x1x2x112xi32, #tpu.memory_space<hbm>> -> memref<2x112xi32, #tpu.memory_space<hbm>>
        %dma_start3A_171 = arith.constant 0 : i32
        %dma_start3A_172 = tpu.memref_slice %arg3[%dma_start3A_167, %add3A, %mul3A_166, %dma_start3A_171] : memref<2x32x84x112xi32, #tpu.memory_space<hbm>> -> memref<1x1x2x112xi32, #tpu.memory_space<hbm>>
        %dma_start3A_173 = tpu.memref_squeeze %dma_start3A_172 : memref<1x1x2x112xi32, #tpu.memory_space<hbm>> -> memref<2x112xi32, #tpu.memory_space<hbm>>
        tpu.enqueue_dma source(%dma_start3A_173 : memref<2x112xi32, #tpu.memory_space<hbm>>) target(%arg5 : memref<2x112xi32, #tpu.memory_space<vmem>>) target_semaphore(%arg14 : memref<!tpu.dma_semaphore, #tpu.memory_space<semaphore_mem>>)
        %mul3A_174 = arith.constant 2 : i32
        %mul3A_175 = arith.muli %mul3A_174, %add3A_164 : i32
        %dma_start3A_176 = arith.constant 1 : i32
        %dma_start3A_177 = arith.constant 0 : i32
        %dma_start3A_178 = tpu.memref_slice %arg3[%dma_start3A_176, %add3A, %mul3A_175, %dma_start3A_177] : memref<2x32x84x112xi32, #tpu.memory_space<hbm>> -> memref<1x1x2x112xi32, #tpu.memory_space<hbm>>
        %dma_start3A_179 = tpu.memref_squeeze %dma_start3A_178 : memref<1x1x2x112xi32, #tpu.memory_space<hbm>> -> memref<2x112xi32, #tpu.memory_space<hbm>>
        %dma_start3A_180 = arith.constant 0 : i32
        %dma_start3A_181 = tpu.memref_slice %arg3[%dma_start3A_176, %add3A, %mul3A_175, %dma_start3A_180] : memref<2x32x84x112xi32, #tpu.memory_space<hbm>> -> memref<1x1x2x112xi32, #tpu.memory_space<hbm>>
        %dma_start3A_182 = tpu.memref_squeeze %dma_start3A_181 : memref<1x1x2x112xi32, #tpu.memory_space<hbm>> -> memref<2x112xi32, #tpu.memory_space<hbm>>
        tpu.enqueue_dma source(%dma_start3A_182 : memref<2x112xi32, #tpu.memory_space<hbm>>) target(%arg6 : memref<2x112xi32, #tpu.memory_space<vmem>>) target_semaphore(%arg14 : memref<!tpu.dma_semaphore, #tpu.memory_space<semaphore_mem>>)
      } else {
      }
      %mul3A_122 = arith.constant 2 : i32
      %mul3A_123 = arith.muli %mul3A_122, %scan3A_86 : i32
      %add3A_124 = arith.constant 1 : i32
      %add3A_125 = arith.addi %mul3A_123, %add3A_124 : i32
      %dma_start3A_126 = arith.constant 1 : i32
      %dma_start3A_127 = arith.constant 0 : i32
      %dma_start3A_128 = tpu.memref_slice %arg7[%dma_start3A_126, %dma_start3A_127] : memref<2x112xi32, #tpu.memory_space<vmem>> -> memref<1x112xi32, #tpu.memory_space<vmem>>
      %dma_start3A_129 = tpu.memref_squeeze %dma_start3A_128 : memref<1x112xi32, #tpu.memory_space<vmem>> -> memref<112xi32, #tpu.memory_space<vmem>>
      %dma_start3A_130 = arith.constant 0 : i32
      %dma_start3A_131 = arith.constant 0 : i32
      %dma_start3A_132 = tpu.memref_slice %arg2[%dma_start3A_130, %dma_start3A_131] : memref<30000x128xf32, #tpu.memory_space<hbm>> -> memref<30000x128xf32, #tpu.memory_space<hbm>>
      tpu.enqueue_indirect_dma source(%dma_start3A_132 : memref<30000x128xf32, #tpu.memory_space<hbm>>) target(%arg10 : memref<112x128xf32, #tpu.memory_space<vmem>>) offsets(%dma_start3A_129 : memref<112xi32, #tpu.memory_space<vmem>>) semaphore(%arg13 : memref<!tpu.dma_semaphore, #tpu.memory_space<semaphore_mem>>)
      %dma_wait3A_133 = arith.constant 0 : i32
      %dma_wait3A_134 = arith.constant 0 : i32
      %dma_wait3A_135 = tpu.memref_slice %arg7[%dma_wait3A_133, %dma_wait3A_134] : memref<2x112xi32, #tpu.memory_space<vmem>> -> memref<1x112xi32, #tpu.memory_space<vmem>>
      %dma_wait3A_136 = tpu.memref_squeeze %dma_wait3A_135 : memref<1x112xi32, #tpu.memory_space<vmem>> -> memref<112xi32, #tpu.memory_space<vmem>>
      %dma_wait3A_137 = arith.constant 0 : i32
      %dma_wait3A_138 = arith.constant 0 : i32
      %dma_wait3A_139 = tpu.memref_slice %arg2[%dma_wait3A_137, %dma_wait3A_138] : memref<30000x128xf32, #tpu.memory_space<hbm>> -> memref<30000x128xf32, #tpu.memory_space<hbm>>
      tpu.wait_indirect_dma semaphore(%arg12 : memref<!tpu.dma_semaphore, #tpu.memory_space<semaphore_mem>>) src(%dma_wait3A_139 : memref<30000x128xf32, #tpu.memory_space<hbm>>) dst(%arg9 : memref<112x128xf32, #tpu.memory_space<vmem>>)
      %run_scoped3A_140 = arith.constant 0 : i32
      "tpu.region"() ({
        %run_scoped3A_163 = tpu.sem_alloc : memref<!tpu.dma_semaphore, #tpu.memory_space<semaphore_mem>>
        %dma_start3A_164 = arith.constant 0 : i32
        %dma_start3A_165 = tpu.memref_slice %arg8[%run_scoped3A_140, %dma_start3A_164] : memref<2x112xi32, #tpu.memory_space<vmem>> -> memref<1x112xi32, #tpu.memory_space<vmem>>
        %dma_start3A_166 = tpu.memref_squeeze %dma_start3A_165 : memref<1x112xi32, #tpu.memory_space<vmem>> -> memref<112xi32, #tpu.memory_space<vmem>>
        %dma_start3A_167 = arith.constant 0 : i32
        %dma_start3A_168 = arith.constant 0 : i32
        %dma_start3A_169 = tpu.memref_slice %arg11[%dma_start3A_167, %dma_start3A_168] : memref<10112x128xf32, #tpu.memory_space<vmem_shared>> -> memref<10112x128xf32, #tpu.memory_space<vmem_shared>>
        tpu.enqueue_indirect_dma source(%arg9 : memref<112x128xf32, #tpu.memory_space<vmem>>) target(%dma_start3A_169 : memref<10112x128xf32, #tpu.memory_space<vmem_shared>>) offsets(%dma_start3A_166 : memref<112xi32, #tpu.memory_space<vmem>>) semaphore(%run_scoped3A_163 : memref<!tpu.dma_semaphore, #tpu.memory_space<semaphore_mem>>) {add = true}
        %dma_wait3A_170 = arith.constant 0 : i32
        %dma_wait3A_171 = tpu.memref_slice %arg8[%run_scoped3A_140, %dma_wait3A_170] : memref<2x112xi32, #tpu.memory_space<vmem>> -> memref<1x112xi32, #tpu.memory_space<vmem>>
        %dma_wait3A_172 = tpu.memref_squeeze %dma_wait3A_171 : memref<1x112xi32, #tpu.memory_space<vmem>> -> memref<112xi32, #tpu.memory_space<vmem>>
        %dma_wait3A_173 = arith.constant 0 : i32
        %dma_wait3A_174 = arith.constant 0 : i32
        %dma_wait3A_175 = tpu.memref_slice %arg11[%dma_wait3A_173, %dma_wait3A_174] : memref<10112x128xf32, #tpu.memory_space<vmem_shared>> -> memref<10112x128xf32, #tpu.memory_space<vmem_shared>>
        tpu.wait_indirect_dma semaphore(%run_scoped3A_163 : memref<!tpu.dma_semaphore, #tpu.memory_space<semaphore_mem>>) src(%arg9 : memref<112x128xf32, #tpu.memory_space<vmem>>) dst(%dma_wait3A_175 : memref<10112x128xf32, #tpu.memory_space<vmem_shared>>)
        tpu.yield
      }) : () -> ()
      %add3A_141 = arith.constant 1 : i32
      %add3A_142 = arith.addi %add3A_125, %add3A_141 : i32
      %lt3A_143 = arith.constant 42 : i32
      %lt3A_144 = arith.cmpi slt, %add3A_142, %lt3A_143 : i32
      %convert_element_type3A_145 = arith.extui %lt3A_144 : i1 to i32
      %cond3A_146 = arith.constant 0 : i32
      %cond3A_147 = arith.cmpi ne, %convert_element_type3A_145, %cond3A_146 : i32
      scf.if %cond3A_147 {
        %add3A_163 = arith.constant 1 : i32
        %add3A_164 = arith.addi %add3A_125, %add3A_163 : i32
        %mul3A_165 = arith.constant 2 : i32
        %mul3A_166 = arith.muli %mul3A_165, %add3A_164 : i32
        %dma_wait3A_167 = arith.constant 0 : i32
        %dma_wait3A_168 = arith.constant 0 : i32
        %dma_wait3A_169 = tpu.memref_slice %arg3[%dma_wait3A_167, %add3A, %mul3A_166, %dma_wait3A_168] : memref<2x32x84x112xi32, #tpu.memory_space<hbm>> -> memref<1x1x2x112xi32, #tpu.memory_space<hbm>>
        %dma_wait3A_170 = tpu.memref_squeeze %dma_wait3A_169 : memref<1x1x2x112xi32, #tpu.memory_space<hbm>> -> memref<2x112xi32, #tpu.memory_space<hbm>>
        %dma_wait3A_171 = arith.constant 0 : i32
        %dma_wait3A_172 = tpu.memref_slice %arg3[%dma_wait3A_167, %add3A, %mul3A_166, %dma_wait3A_171] : memref<2x32x84x112xi32, #tpu.memory_space<hbm>> -> memref<1x1x2x112xi32, #tpu.memory_space<hbm>>
        %dma_wait3A_173 = tpu.memref_squeeze %dma_wait3A_172 : memref<1x1x2x112xi32, #tpu.memory_space<hbm>> -> memref<2x112xi32, #tpu.memory_space<hbm>>
        tpu.wait_dma2 semaphore(%arg14 : memref<!tpu.dma_semaphore, #tpu.memory_space<semaphore_mem>>) src(%dma_wait3A_173 : memref<2x112xi32, #tpu.memory_space<hbm>>) dst(%arg5 : memref<2x112xi32, #tpu.memory_space<vmem>>)
        %mul3A_174 = arith.constant 2 : i32
        %mul3A_175 = arith.muli %mul3A_174, %add3A_164 : i32
        %dma_wait3A_176 = arith.constant 1 : i32
        %dma_wait3A_177 = arith.constant 0 : i32
        %dma_wait3A_178 = tpu.memref_slice %arg3[%dma_wait3A_176, %add3A, %mul3A_175, %dma_wait3A_177] : memref<2x32x84x112xi32, #tpu.memory_space<hbm>> -> memref<1x1x2x112xi32, #tpu.memory_space<hbm>>
        %dma_wait3A_179 = tpu.memref_squeeze %dma_wait3A_178 : memref<1x1x2x112xi32, #tpu.memory_space<hbm>> -> memref<2x112xi32, #tpu.memory_space<hbm>>
        %dma_wait3A_180 = arith.constant 0 : i32
        %dma_wait3A_181 = tpu.memref_slice %arg3[%dma_wait3A_176, %add3A, %mul3A_175, %dma_wait3A_180] : memref<2x32x84x112xi32, #tpu.memory_space<hbm>> -> memref<1x1x2x112xi32, #tpu.memory_space<hbm>>
        %dma_wait3A_182 = tpu.memref_squeeze %dma_wait3A_181 : memref<1x1x2x112xi32, #tpu.memory_space<hbm>> -> memref<2x112xi32, #tpu.memory_space<hbm>>
        tpu.wait_dma2 semaphore(%arg14 : memref<!tpu.dma_semaphore, #tpu.memory_space<semaphore_mem>>) src(%dma_wait3A_182 : memref<2x112xi32, #tpu.memory_space<hbm>>) dst(%arg6 : memref<2x112xi32, #tpu.memory_space<vmem>>)
        %dma_start3A_183 = arith.constant 0 : i32
        %dma_start3A_184 = arith.constant 0 : i32
        %dma_start3A_185 = tpu.memref_slice %arg5[%dma_start3A_183, %dma_start3A_184] : memref<2x112xi32, #tpu.memory_space<vmem>> -> memref<1x112xi32, #tpu.memory_space<vmem>>
        %dma_start3A_186 = tpu.memref_squeeze %dma_start3A_185 : memref<1x112xi32, #tpu.memory_space<vmem>> -> memref<112xi32, #tpu.memory_space<vmem>>
        %dma_start3A_187 = arith.constant 0 : i32
        %dma_start3A_188 = arith.constant 0 : i32
        %dma_start3A_189 = tpu.memref_slice %arg2[%dma_start3A_187, %dma_start3A_188] : memref<30000x128xf32, #tpu.memory_space<hbm>> -> memref<30000x128xf32, #tpu.memory_space<hbm>>
        tpu.enqueue_indirect_dma source(%dma_start3A_189 : memref<30000x128xf32, #tpu.memory_space<hbm>>) target(%arg9 : memref<112x128xf32, #tpu.memory_space<vmem>>) offsets(%dma_start3A_186 : memref<112xi32, #tpu.memory_space<vmem>>) semaphore(%arg12 : memref<!tpu.dma_semaphore, #tpu.memory_space<semaphore_mem>>)
      } else {
      }
      %dma_wait3A_148 = arith.constant 1 : i32
      %dma_wait3A_149 = arith.constant 0 : i32
      %dma_wait3A_150 = tpu.memref_slice %arg7[%dma_wait3A_148, %dma_wait3A_149] : memref<2x112xi32, #tpu.memory_space<vmem>> -> memref<1x112xi32, #tpu.memory_space<vmem>>
      %dma_wait3A_151 = tpu.memref_squeeze %dma_wait3A_150 : memref<1x112xi32, #tpu.memory_space<vmem>> -> memref<112xi32, #tpu.memory_space<vmem>>
      %dma_wait3A_152 = arith.constant 0 : i32
      %dma_wait3A_153 = arith.constant 0 : i32
      %dma_wait3A_154 = tpu.memref_slice %arg2[%dma_wait3A_152, %dma_wait3A_153] : memref<30000x128xf32, #tpu.memory_space<hbm>> -> memref<30000x128xf32, #tpu.memory_space<hbm>>
      tpu.wait_indirect_dma semaphore(%arg13 : memref<!tpu.dma_semaphore, #tpu.memory_space<semaphore_mem>>) src(%dma_wait3A_154 : memref<30000x128xf32, #tpu.memory_space<hbm>>) dst(%arg10 : memref<112x128xf32, #tpu.memory_space<vmem>>)
      %run_scoped3A_155 = arith.constant 1 : i32
      "tpu.region"() ({
        %run_scoped3A_163 = tpu.sem_alloc : memref<!tpu.dma_semaphore, #tpu.memory_space<semaphore_mem>>
        %dma_start3A_164 = arith.constant 0 : i32
        %dma_start3A_165 = tpu.memref_slice %arg8[%run_scoped3A_155, %dma_start3A_164] : memref<2x112xi32, #tpu.memory_space<vmem>> -> memref<1x112xi32, #tpu.memory_space<vmem>>
        %dma_start3A_166 = tpu.memref_squeeze %dma_start3A_165 : memref<1x112xi32, #tpu.memory_space<vmem>> -> memref<112xi32, #tpu.memory_space<vmem>>
        %dma_start3A_167 = arith.constant 0 : i32
        %dma_start3A_168 = arith.constant 0 : i32
        %dma_start3A_169 = tpu.memref_slice %arg11[%dma_start3A_167, %dma_start3A_168] : memref<10112x128xf32, #tpu.memory_space<vmem_shared>> -> memref<10112x128xf32, #tpu.memory_space<vmem_shared>>
        tpu.enqueue_indirect_dma source(%arg10 : memref<112x128xf32, #tpu.memory_space<vmem>>) target(%dma_start3A_169 : memref<10112x128xf32, #tpu.memory_space<vmem_shared>>) offsets(%dma_start3A_166 : memref<112xi32, #tpu.memory_space<vmem>>) semaphore(%run_scoped3A_163 : memref<!tpu.dma_semaphore, #tpu.memory_space<semaphore_mem>>) {add = true}
        %dma_wait3A_170 = arith.constant 0 : i32
        %dma_wait3A_171 = tpu.memref_slice %arg8[%run_scoped3A_155, %dma_wait3A_170] : memref<2x112xi32, #tpu.memory_space<vmem>> -> memref<1x112xi32, #tpu.memory_space<vmem>>
        %dma_wait3A_172 = tpu.memref_squeeze %dma_wait3A_171 : memref<1x112xi32, #tpu.memory_space<vmem>> -> memref<112xi32, #tpu.memory_space<vmem>>
        %dma_wait3A_173 = arith.constant 0 : i32
        %dma_wait3A_174 = arith.constant 0 : i32
        %dma_wait3A_175 = tpu.memref_slice %arg11[%dma_wait3A_173, %dma_wait3A_174] : memref<10112x128xf32, #tpu.memory_space<vmem_shared>> -> memref<10112x128xf32, #tpu.memory_space<vmem_shared>>
        tpu.wait_indirect_dma semaphore(%run_scoped3A_163 : memref<!tpu.dma_semaphore, #tpu.memory_space<semaphore_mem>>) src(%arg10 : memref<112x128xf32, #tpu.memory_space<vmem>>) dst(%dma_wait3A_175 : memref<10112x128xf32, #tpu.memory_space<vmem_shared>>)
        tpu.yield
      }) : () -> ()
      %add3A_156 = arith.constant 2 : i32
      %add3A_157 = arith.addi %add3A_125, %add3A_156 : i32
      %lt3A_158 = arith.constant 42 : i32
      %lt3A_159 = arith.cmpi slt, %add3A_157, %lt3A_158 : i32
      %convert_element_type3A_160 = arith.extui %lt3A_159 : i1 to i32
      %cond3A_161 = arith.constant 0 : i32
      %cond3A_162 = arith.cmpi ne, %convert_element_type3A_160, %cond3A_161 : i32
      scf.if %cond3A_162 {
        %add3A_163 = arith.constant 2 : i32
        %add3A_164 = arith.addi %add3A_125, %add3A_163 : i32
        %mul3A_165 = arith.constant 2 : i32
        %mul3A_166 = arith.muli %mul3A_165, %add3A_164 : i32
        %dma_start3A_167 = arith.constant 0 : i32
        %dma_start3A_168 = arith.constant 0 : i32
        %dma_start3A_169 = tpu.memref_slice %arg3[%dma_start3A_167, %add3A, %mul3A_166, %dma_start3A_168] : memref<2x32x84x112xi32, #tpu.memory_space<hbm>> -> memref<1x1x2x112xi32, #tpu.memory_space<hbm>>
        %dma_start3A_170 = tpu.memref_squeeze %dma_start3A_169 : memref<1x1x2x112xi32, #tpu.memory_space<hbm>> -> memref<2x112xi32, #tpu.memory_space<hbm>>
        %dma_start3A_171 = arith.constant 0 : i32
        %dma_start3A_172 = tpu.memref_slice %arg3[%dma_start3A_167, %add3A, %mul3A_166, %dma_start3A_171] : memref<2x32x84x112xi32, #tpu.memory_space<hbm>> -> memref<1x1x2x112xi32, #tpu.memory_space<hbm>>
        %dma_start3A_173 = tpu.memref_squeeze %dma_start3A_172 : memref<1x1x2x112xi32, #tpu.memory_space<hbm>> -> memref<2x112xi32, #tpu.memory_space<hbm>>
        tpu.enqueue_dma source(%dma_start3A_173 : memref<2x112xi32, #tpu.memory_space<hbm>>) target(%arg7 : memref<2x112xi32, #tpu.memory_space<vmem>>) target_semaphore(%arg15 : memref<!tpu.dma_semaphore, #tpu.memory_space<semaphore_mem>>)
        %mul3A_174 = arith.constant 2 : i32
        %mul3A_175 = arith.muli %mul3A_174, %add3A_164 : i32
        %dma_start3A_176 = arith.constant 1 : i32
        %dma_start3A_177 = arith.constant 0 : i32
        %dma_start3A_178 = tpu.memref_slice %arg3[%dma_start3A_176, %add3A, %mul3A_175, %dma_start3A_177] : memref<2x32x84x112xi32, #tpu.memory_space<hbm>> -> memref<1x1x2x112xi32, #tpu.memory_space<hbm>>
        %dma_start3A_179 = tpu.memref_squeeze %dma_start3A_178 : memref<1x1x2x112xi32, #tpu.memory_space<hbm>> -> memref<2x112xi32, #tpu.memory_space<hbm>>
        %dma_start3A_180 = arith.constant 0 : i32
        %dma_start3A_181 = tpu.memref_slice %arg3[%dma_start3A_176, %add3A, %mul3A_175, %dma_start3A_180] : memref<2x32x84x112xi32, #tpu.memory_space<hbm>> -> memref<1x1x2x112xi32, #tpu.memory_space<hbm>>
        %dma_start3A_182 = tpu.memref_squeeze %dma_start3A_181 : memref<1x1x2x112xi32, #tpu.memory_space<hbm>> -> memref<2x112xi32, #tpu.memory_space<hbm>>
        tpu.enqueue_dma source(%dma_start3A_182 : memref<2x112xi32, #tpu.memory_space<hbm>>) target(%arg8 : memref<2x112xi32, #tpu.memory_space<vmem>>) target_semaphore(%arg15 : memref<!tpu.dma_semaphore, #tpu.memory_space<semaphore_mem>>)
      } else {
      }
    }
    %scan3A_84 = arith.constant 21 : i32
    %barrier3A_85 = arith.constant 0 : index
    tpu.barrier barrier_id(%barrier3A_85)
    "tpu.region"() ({
      %run_scoped3A = tpu.sem_alloc : memref<!tpu.dma_semaphore, #tpu.memory_space<semaphore_mem>>
      %dma_start3A_86 = arith.constant 0 : i32
      %dma_start3A_87 = tpu.memref_slice %arg4[%arg0, %mul3A_42, %dma_start3A_86] : memref<2x10112x128xf32, #tpu.memory_space<hbm>> -> memref<1x632x128xf32, #tpu.memory_space<hbm>>
      %dma_start3A_88 = tpu.memref_squeeze %dma_start3A_87 : memref<1x632x128xf32, #tpu.memory_space<hbm>> -> memref<632x128xf32, #tpu.memory_space<hbm>>
      %dma_start3A_89 = arith.constant 0 : i32
      %dma_start3A_90 = tpu.memref_slice %arg11[%mul3A_42, %dma_start3A_89] : memref<10112x128xf32, #tpu.memory_space<vmem_shared>> -> memref<632x128xf32, #tpu.memory_space<vmem_shared>>
      tpu.enqueue_dma source(%dma_start3A_90 : memref<632x128xf32, #tpu.memory_space<vmem_shared>>) target(%dma_start3A_88 : memref<632x128xf32, #tpu.memory_space<hbm>>) target_semaphore(%run_scoped3A : memref<!tpu.dma_semaphore, #tpu.memory_space<semaphore_mem>>)
      %dma_wait3A_91 = arith.constant 0 : i32
      %dma_wait3A_92 = tpu.memref_slice %arg4[%arg0, %mul3A_42, %dma_wait3A_91] : memref<2x10112x128xf32, #tpu.memory_space<hbm>> -> memref<1x632x128xf32, #tpu.memory_space<hbm>>
      %dma_wait3A_93 = tpu.memref_squeeze %dma_wait3A_92 : memref<1x632x128xf32, #tpu.memory_space<hbm>> -> memref<632x128xf32, #tpu.memory_space<hbm>>
      %dma_wait3A_94 = arith.constant 0 : i32
      %dma_wait3A_95 = tpu.memref_slice %arg11[%mul3A_42, %dma_wait3A_94] : memref<10112x128xf32, #tpu.memory_space<vmem_shared>> -> memref<632x128xf32, #tpu.memory_space<vmem_shared>>
      tpu.wait_dma2 semaphore(%run_scoped3A : memref<!tpu.dma_semaphore, #tpu.memory_space<semaphore_mem>>) src(%dma_wait3A_95 : memref<632x128xf32, #tpu.memory_space<vmem_shared>>) dst(%dma_wait3A_93 : memref<632x128xf32, #tpu.memory_space<hbm>>)
      tpu.yield
    }) : () -> ()
    return
  }
}

module attributes {stable_mosaic.version = 14 : i64} {
  func.func @_dense_body(%arg0: i32, %arg1: memref<1000x128xf32, #tpu.memory_space<vmem>>, %arg2: memref<128x1152xf32, #tpu.memory_space<vmem>>, %arg3: memref<3x1000x128xf32, #tpu.memory_space<vmem>>) attributes {dimension_semantics = [#tpu.dimension_semantics<arbitrary>], iteration_bounds = array<i64: 10>, scalar_prefetch = 0 : i64, scratch_operands = 0 : i64, tpu.core_type = #tpu.core_type<tc>, window_params = [{transform_indices = @transform_0, window_bounds = array<i64: 1000, 128>}, {pipeline_mode = #tpu.pipeline_mode<synchronous>, transform_indices = @transform_1, window_bounds = array<i64: 128, 1152>}, {transform_indices = @transform_2, window_bounds = array<i64: 3, 1000, 128>}]} {
    %get3A = arith.constant 0 : index
    %get3A_0 = arith.constant 0 : index
    %get3A_1 = vector.load %arg1[%get3A, %get3A_0] : memref<1000x128xf32, #tpu.memory_space<vmem>>, vector<1000x128xf32>
    %get3A_2 = arith.constant 0 : index
    %get3A_3 = arith.constant 0 : index
    %get3A_4 = vector.load %arg2[%get3A_2, %get3A_3] : memref<128x1152xf32, #tpu.memory_space<vmem>>, vector<128x1152xf32>
    %dot_general3A = arith.constant dense<0.000000e+00> : vector<1000x1152xf32>
    %dot_general3A_5 = tpu.matmul %get3A_1, %get3A_4, %dot_general3A {dimension_numbers = #tpu.dot_dimension_numbers<[1], [0], [0], [1], [0, 0, 1, 1], [], []>, transpose_lhs_hint = false} : vector<1000x128xf32>, vector<128x1152xf32>, vector<1000x1152xf32> -> vector<1000x1152xf32>
    %slice3A = vector.extract_strided_slice %dot_general3A_5 {offsets = [0, 0], sizes = [1000, 128], strides = [1, 1]} : vector<1000x1152xf32> to vector<1000x128xf32>
    %slice3A_6 = vector.extract_strided_slice %dot_general3A_5 {offsets = [0, 128], sizes = [1000, 128], strides = [1, 1]} : vector<1000x1152xf32> to vector<1000x128xf32>
    %slice3A_7 = vector.extract_strided_slice %dot_general3A_5 {offsets = [0, 256], sizes = [1000, 128], strides = [1, 1]} : vector<1000x1152xf32> to vector<1000x128xf32>
    %mul3A = arith.mulf %slice3A_6, %slice3A : vector<1000x128xf32>
    %add3A = arith.addf %mul3A, %slice3A_7 : vector<1000x128xf32>
    %max3A = arith.constant 0.000000e+00 : f32
    %max3A_8 = vector.broadcast %max3A : f32 to vector<1000x128xf32>
    %max3A_9 = arith.maximumf %add3A, %max3A_8 : vector<1000x128xf32>
    %swap3A = arith.constant 0 : index
    %swap3A_10 = arith.constant 0 : index
    %swap3A_11 = arith.constant 0 : index
    %swap3A_12 = vector.load %arg3[%swap3A, %swap3A_10, %swap3A_11] : memref<3x1000x128xf32, #tpu.memory_space<vmem>>, vector<1x1000x128xf32>
    %swap3A_13 = vector.shape_cast %swap3A_12 : vector<1x1000x128xf32> to vector<1000x128xf32>
    %swap3A_14 = vector.shape_cast %max3A_9 : vector<1000x128xf32> to vector<1x1000x128xf32>
    tpu.vector_store %arg3[%swap3A, %swap3A_10, %swap3A_11], %swap3A_14 {strides = array<i32>} : memref<3x1000x128xf32, #tpu.memory_space<vmem>>, vector<1x1000x128xf32>,
    %slice3A_15 = vector.extract_strided_slice %dot_general3A_5 {offsets = [0, 384], sizes = [1000, 128], strides = [1, 1]} : vector<1000x1152xf32> to vector<1000x128xf32>
    %slice3A_16 = vector.extract_strided_slice %dot_general3A_5 {offsets = [0, 512], sizes = [1000, 128], strides = [1, 1]} : vector<1000x1152xf32> to vector<1000x128xf32>
    %slice3A_17 = vector.extract_strided_slice %dot_general3A_5 {offsets = [0, 640], sizes = [1000, 128], strides = [1, 1]} : vector<1000x1152xf32> to vector<1000x128xf32>
    %mul3A_18 = arith.mulf %slice3A_16, %slice3A_15 : vector<1000x128xf32>
    %add3A_19 = arith.addf %mul3A_18, %slice3A_17 : vector<1000x128xf32>
    %max3A_20 = arith.constant 0.000000e+00 : f32
    %max3A_21 = vector.broadcast %max3A_20 : f32 to vector<1000x128xf32>
    %max3A_22 = arith.maximumf %add3A_19, %max3A_21 : vector<1000x128xf32>
    %swap3A_23 = arith.constant 1 : index
    %swap3A_24 = arith.constant 0 : index
    %swap3A_25 = arith.constant 0 : index
    %swap3A_26 = vector.load %arg3[%swap3A_23, %swap3A_24, %swap3A_25] : memref<3x1000x128xf32, #tpu.memory_space<vmem>>, vector<1x1000x128xf32>
    %swap3A_27 = vector.shape_cast %swap3A_26 : vector<1x1000x128xf32> to vector<1000x128xf32>
    %swap3A_28 = vector.shape_cast %max3A_22 : vector<1000x128xf32> to vector<1x1000x128xf32>
    tpu.vector_store %arg3[%swap3A_23, %swap3A_24, %swap3A_25], %swap3A_28 {strides = array<i32>} : memref<3x1000x128xf32, #tpu.memory_space<vmem>>, vector<1x1000x128xf32>,
    %slice3A_29 = vector.extract_strided_slice %dot_general3A_5 {offsets = [0, 768], sizes = [1000, 128], strides = [1, 1]} : vector<1000x1152xf32> to vector<1000x128xf32>
    %slice3A_30 = vector.extract_strided_slice %dot_general3A_5 {offsets = [0, 896], sizes = [1000, 128], strides = [1, 1]} : vector<1000x1152xf32> to vector<1000x128xf32>
    %slice3A_31 = vector.extract_strided_slice %dot_general3A_5 {offsets = [0, 1024], sizes = [1000, 128], strides = [1, 1]} : vector<1000x1152xf32> to vector<1000x128xf32>
    %mul3A_32 = arith.mulf %slice3A_30, %slice3A_29 : vector<1000x128xf32>
    %add3A_33 = arith.addf %mul3A_32, %slice3A_31 : vector<1000x128xf32>
    %max3A_34 = arith.constant 0.000000e+00 : f32
    %max3A_35 = vector.broadcast %max3A_34 : f32 to vector<1000x128xf32>
    %max3A_36 = arith.maximumf %add3A_33, %max3A_35 : vector<1000x128xf32>
    %swap3A_37 = arith.constant 2 : index
    %swap3A_38 = arith.constant 0 : index
    %swap3A_39 = arith.constant 0 : index
    %swap3A_40 = vector.load %arg3[%swap3A_37, %swap3A_38, %swap3A_39] : memref<3x1000x128xf32, #tpu.memory_space<vmem>>, vector<1x1000x128xf32>
    %swap3A_41 = vector.shape_cast %swap3A_40 : vector<1x1000x128xf32> to vector<1000x128xf32>
    %swap3A_42 = vector.shape_cast %max3A_36 : vector<1000x128xf32> to vector<1x1000x128xf32>
    tpu.vector_store %arg3[%swap3A_37, %swap3A_38, %swap3A_39], %swap3A_42 {strides = array<i32>} : memref<3x1000x128xf32, #tpu.memory_space<vmem>>, vector<1x1000x128xf32>,
    return
  }
  func.func @transform_0(%arg0: i32) -> (i32, i32) {
    %c0_i32 = arith.constant 0 : i32
    %c0_i32_0 = arith.constant 0 : i32
    return %arg0, %c0_i32 : i32, i32
  }
  func.func @transform_1(%arg0: i32) -> (i32, i32) {
    %c0_i32 = arith.constant 0 : i32
    %c0_i32_0 = arith.constant 0 : i32
    %c0_i32_1 = arith.constant 0 : i32
    return %c0_i32, %c0_i32_0 : i32, i32
  }
  func.func @transform_2(%arg0: i32) -> (i32, i32, i32) {
    %c0_i32 = arith.constant 0 : i32
    %c0_i32_0 = arith.constant 0 : i32
    %c0_i32_1 = arith.constant 0 : i32
    return %c0_i32, %arg0, %c0_i32_0 : i32, i32, i32
  }
}

module attributes {stable_mosaic.version = 14 : i64} {
  func.func @_ln_body(%arg0: i32, %arg1: memref<2x1000x128xf32, #tpu.memory_space<vmem>>, %arg2: memref<1x128xf32, #tpu.memory_space<vmem>>, %arg3: memref<1x128xf32, #tpu.memory_space<vmem>>, %arg4: memref<1000x128xf32, #tpu.memory_space<vmem>>) attributes {dimension_semantics = [#tpu.dimension_semantics<arbitrary>], iteration_bounds = array<i64: 10>, scalar_prefetch = 0 : i64, scratch_operands = 0 : i64, tpu.core_type = #tpu.core_type<tc>, window_params = [{transform_indices = @transform_0, window_bounds = array<i64: 2, 1000, 128>}, {pipeline_mode = #tpu.pipeline_mode<synchronous>, transform_indices = @transform_1, window_bounds = array<i64: 1, 128>}, {pipeline_mode = #tpu.pipeline_mode<synchronous>, transform_indices = @transform_2, window_bounds = array<i64: 1, 128>}, {transform_indices = @transform_3, window_bounds = array<i64: 1000, 128>}]} {
    %get3A = arith.constant 0 : index
    %get3A_0 = arith.constant 0 : index
    %get3A_1 = arith.constant 0 : index
    %get3A_2 = vector.load %arg1[%get3A, %get3A_0, %get3A_1] : memref<2x1000x128xf32, #tpu.memory_space<vmem>>, vector<1x1000x128xf32>
    %get3A_3 = vector.shape_cast %get3A_2 : vector<1x1000x128xf32> to vector<1000x128xf32>
    %get3A_4 = arith.constant 1 : index
    %get3A_5 = arith.constant 0 : index
    %get3A_6 = arith.constant 0 : index
    %get3A_7 = vector.load %arg1[%get3A_4, %get3A_5, %get3A_6] : memref<2x1000x128xf32, #tpu.memory_space<vmem>>, vector<1x1000x128xf32>
    %get3A_8 = vector.shape_cast %get3A_7 : vector<1x1000x128xf32> to vector<1000x128xf32>
    %add3A = arith.addf %get3A_3, %get3A_8 : vector<1000x128xf32>
    %reduce_sum3A = arith.constant dense<0.000000e+00> : vector<1000xf32>
    %reduce_sum3A_9 = vector.multi_reduction <add>, %add3A, %reduce_sum3A [1] : vector<1000x128xf32> to vector<1000xf32>
    %broadcast_in_dim3A = vector.shape_cast %reduce_sum3A_9 : vector<1000xf32> to vector<1000x1xf32>
    %div3A = arith.constant 1.280000e+02 : f32
    %div3A_10 = vector.broadcast %div3A : f32 to vector<1000x1xf32>
    %div3A_11 = arith.divf %broadcast_in_dim3A, %div3A_10 : vector<1000x1xf32>
    %sub3A = vector.broadcast %div3A_11 : vector<1000x1xf32> to vector<1000x128xf32>
    %sub3A_12 = arith.subf %add3A, %sub3A : vector<1000x128xf32>
    %mul3A = arith.mulf %sub3A_12, %sub3A_12 : vector<1000x128xf32>
    %reduce_sum3A_13 = arith.constant dense<0.000000e+00> : vector<1000xf32>
    %reduce_sum3A_14 = vector.multi_reduction <add>, %mul3A, %reduce_sum3A_13 [1] : vector<1000x128xf32> to vector<1000xf32>
    %broadcast_in_dim3A_15 = vector.shape_cast %reduce_sum3A_14 : vector<1000xf32> to vector<1000x1xf32>
    %div3A_16 = arith.constant 1.280000e+02 : f32
    %div3A_17 = vector.broadcast %div3A_16 : f32 to vector<1000x1xf32>
    %div3A_18 = arith.divf %broadcast_in_dim3A_15, %div3A_17 : vector<1000x1xf32>
    %add3A_19 = arith.constant 9.99999974E-6 : f32
    %add3A_20 = vector.broadcast %add3A_19 : f32 to vector<1000x1xf32>
    %add3A_21 = arith.addf %div3A_18, %add3A_20 : vector<1000x1xf32>
    %sqrt3A = math.sqrt %add3A_21 : vector<1000x1xf32>
    %div3A_22 = vector.broadcast %sqrt3A : vector<1000x1xf32> to vector<1000x128xf32>
    %div3A_23 = arith.divf %sub3A_12, %div3A_22 : vector<1000x128xf32>
    %get3A_24 = arith.constant 0 : index
    %get3A_25 = arith.constant 0 : index
    %get3A_26 = vector.load %arg2[%get3A_24, %get3A_25] : memref<1x128xf32, #tpu.memory_space<vmem>>, vector<1x128xf32>
    %mul3A_27 = vector.broadcast %get3A_26 : vector<1x128xf32> to vector<1000x128xf32>
    %mul3A_28 = arith.mulf %div3A_23, %mul3A_27 : vector<1000x128xf32>
    %get3A_29 = arith.constant 0 : index
    %get3A_30 = arith.constant 0 : index
    %get3A_31 = vector.load %arg3[%get3A_29, %get3A_30] : memref<1x128xf32, #tpu.memory_space<vmem>>, vector<1x128xf32>
    %add3A_32 = vector.broadcast %get3A_31 : vector<1x128xf32> to vector<1000x128xf32>
    %add3A_33 = arith.addf %mul3A_28, %add3A_32 : vector<1000x128xf32>
    %swap3A = arith.constant 0 : index
    %swap3A_34 = arith.constant 0 : index
    %swap3A_35 = vector.load %arg4[%swap3A, %swap3A_34] : memref<1000x128xf32, #tpu.memory_space<vmem>>, vector<1000x128xf32>
    tpu.vector_store %arg4[%swap3A, %swap3A_34], %add3A_33 {strides = array<i32>} : memref<1000x128xf32, #tpu.memory_space<vmem>>, vector<1000x128xf32>,
    return
  }
  func.func @transform_0(%arg0: i32) -> (i32, i32, i32) {
    %c0_i32 = arith.constant 0 : i32
    %c0_i32_0 = arith.constant 0 : i32
    %c0_i32_1 = arith.constant 0 : i32
    return %c0_i32, %arg0, %c0_i32_0 : i32, i32, i32
  }
  func.func @transform_1(%arg0: i32) -> (i32, i32) {
    %c0_i32 = arith.constant 0 : i32
    %c0_i32_0 = arith.constant 0 : i32
    %c0_i32_1 = arith.constant 0 : i32
    return %c0_i32, %c0_i32_0 : i32, i32
  }
  func.func @transform_2(%arg0: i32) -> (i32, i32) {
    %c0_i32 = arith.constant 0 : i32
    %c0_i32_0 = arith.constant 0 : i32
    %c0_i32_1 = arith.constant 0 : i32
    return %c0_i32, %c0_i32_0 : i32, i32
  }
  func.func @transform_3(%arg0: i32) -> (i32, i32) {
    %c0_i32 = arith.constant 0 : i32
    %c0_i32_0 = arith.constant 0 : i32
    return %arg0, %c0_i32 : i32, i32
  }
}

</mosaic_0001>

<sc_bundles>
// kernel: kernel.5.cloned.1.call-start
scs
__scs_entry_jumppad:
0x0: {  	(pc) =	sbr.rel $0x88, $3  }
0x1: {  	(tag) =	ssettag $0x0;
	lr =	simm.s32 $0x1  }
0x2: {  	[smem:$0x3F95] =	sst lr;
	_ =	strace $0xD0000000  }
0x3: {  	_ = 	snop  }
0x4: {  	_ = 	snop  }
0x5: {  	_ = 	snop  }
0x6: {  	_ = 	snop  }
0x7: {  	_ = 	snop  }
__scs_overlays_trampoline_lowered:
0x8: {  	[smem:$0x3FA4] =	sst s0  }
0x9: {  	[smem:$0x3FA5] =	sst s1  }
0xa: {  	[smem:$0x3FA6] =	sst s2  }
0xb: {  	[smem:$0x3FA7] =	sst s3  }
0xc: {  	[smem:$0x3FA8] =	sst s4  }
0xd: {  	[smem:$0x3FA9] =	sst s5  }
0xe: {  	[smem:$0x3FAA] =	sst s6  }
0xf: {  	[smem:$0x3FAB] =	sst s7  }
0x10: {  	[smem:$0x3FAC] =	sst s8  }
0x11: {  	[smem:$0x3FAD] =	sst s9;
	s0 =	simm.s32 @!p0 $0x0  }
0x12: {  	s1 =	sld [smem:$0x3F93];
	s0 =	simm.s32 @p0 $0x1  }
0x13: {  	[smem:$0x3FAE] =	sst s0;
	s0 =	simm.s32 @!p1 $0x0  }
0x14: {  	s2 =	sld [smem:$0x3F92];
	s0 =	simm.s32 @p1 $0x1  }
0x15: {  	[smem:$0x3FAF] =	sst s0;
	s0 =	simm.s32 @!p2 $0x0  }
0x16: {  	s3 =	sld [smem:$0x3FDB];
	s0 =	simm.s32 @p2 $0x1  }
0x17: {  	s4 =	simm.s32 $0x1BF5;
	[smem:$0x3FB1] =	sst s0  }
0x18: {  	s0 =	sld [smem:$0x3F94];
	_ =	swait.ge [sflag:s4], $0x0  }
0x19: {  	s7 =	sld [smem:$0x3F95]  }
0x1a: {  	s8 =	sadd.s32 $0xFFFFE003, lr  }
0x1b: {  	s9 =	sadd.s32 $0xFFFFFEF7, lr;
	s5 =	simm.s32 $0xFFFFFFFF;
	p2 =	slt.u32 s8, $0xFFFFF086  }
0x1c: {  	p1 =	slt.u32 s9, $0xF7A;
	s5 =	simm.s32 @!p2 $0x0  }
0x1d: {  	s5 =	simm.s32 @p1 $0x1;
	p0 =	seq.s32 s7, s2  }
0x1e: {  	s7 =	smul.u32 @!p0 $0xF7A, s2;
	p2 =	seq.s32 @!p0 s5, $0x0  }
0x1f: {  	s9 =	smul.u32 $0xF7A, s1;
	s8 =	simm.s32 @!p0 $0x1BF5;
	p2 =	por !p2, p0  }
0x20: {  	[sflag:s8] =	ssyncset.s32 @!p0 $0xFFFFF086;
	s6 =	sadd.s32 @!p0 s3, s7;
	s7 =	simm.s32 @!p0 $0x108  }
0x21: {  	s3 =	sadd.s32 s3, s9;
	s6 =	sadd.s32 @!p0 $0x88, s6;
	s7 =	simm.s32 @p2 $0x1082  }
0x22: {  	[simem:s7], [sflag:s8] =	dma.local @!p0 [hbm:s6], $0xF7A  }
0x23: {  	s9 =	sor.u32 $0xD0000000, s2;
	s6 =	simm.s32 $0x108;
	_ =	swait.ge @!p0 [sflag:s8], $0x0  }
0x24: {  	s3 =	sadd.s32 $0x88, s3;
	s6 =	simm.s32 @!p1 $0x1082;
	[sflag:s4] =	ssyncset.s32 $0xFFFFF086  }
0x25: {  	[simem:s6], [sflag:s4] =	dma.local [hbm:s3], $0xF7A  }
0x26: {  	[smem:$0x3F95] =	sst s1;
	(tag) =	ssettag s2;
	_ =	strace s9  }
0x27: {  	s1 =	sld [smem:$0x3FA5]  }
0x28: {  	s2 =	sld [smem:$0x3FA6]  }
0x29: {  	s4 =	sld [smem:$0x3FA8]  }
0x2a: {  	p0 =	seq.s32 s5, $0x0;
	s5 =	sld [smem:$0x3FA9]  }
0x2b: {  	s6 =	sld [smem:$0x3FAA]  }
0x2c: {  	s7 =	sld [smem:$0x3FAB]  }
0x2d: {  	s3 =	simm.s32 $0x108;
	s8 =	sld [smem:$0x3FAC]  }
0x2e: {  	s3 =	simm.s32 @!p0 $0x1082;
	s9 =	sld [smem:$0x3FAD]  }
0x2f: {  	lr =	sadd.s32 s0, s3;
	s0 =	sld [smem:$0x3FA4]  }
0x30: {  	s3 =	sld [smem:$0x3FA7]  }
0x31: {  	[smem:$0x3FB0] =	sst s10  }
0x32: {  	s10 =	sld [smem:$0x3FAE];
	_ =	sdelay $0x3  }
0x33: {  	p0 =	seq.s32 s10, $0x1;
	s10 =	sld [smem:$0x3FB0];
	_ =	sdelay $0x3  }
0x34: {  	[smem:$0x3FB0] =	sst s10  }
0x35: {  	s10 =	sld [smem:$0x3FAF];
	_ =	sdelay $0x3  }
0x36: {  	p1 =	seq.s32 s10, $0x1;
	s10 =	sld [smem:$0x3FB0];
	_ =	sdelay $0x3  }
0x37: {  	[smem:$0x3FB0] =	sst s10  }
0x38: {  	s10 =	sld [smem:$0x3FB1]  }
0x39: {  	_ = 	snop;
	(pc) =	sbr.ind lr, $3  }
0x3a: {  	_ = 	snop  }
0x3b: {  	_ = 	snop  }
0x3c: {  	p2 =	seq.s32 s10, $0x1;
	s10 =	sld [smem:$0x3FB0]  }
0x3d: {  	_ =	shalt  }
0x3e: {  	_ =	shalt  }
0x3f: {  	_ =	shalt  }
0x40: {  	_ =	shalt  }
0x41: {  	_ =	shalt  }
0x42: {  	_ =	shalt  }
0x43: {  	_ =	shalt  }
0x44: {  	_ =	shalt  }
0x45: {  	_ =	shalt  }
0x46: {  	_ =	shalt  }
0x47: {  	_ =	shalt  }
0x48: {  	_ =	shalt  }
0x49: {  	_ =	shalt  }
0x4a: {  	_ =	shalt  }
0x4b: {  	_ =	shalt  }
0x4c: {  	_ =	shalt  }
0x4d: {  	_ =	shalt  }
0x4e: {  	_ =	shalt  }
0x4f: {  	_ =	shalt  }
0x50: {  	_ =	shalt  }
0x51: {  	_ =	shalt  }
0x52: {  	_ =	shalt  }
0x53: {  	_ =	shalt  }
0x54: {  	_ =	shalt  }
0x55: {  	_ =	shalt  }
0x56: {  	_ =	shalt  }
0x57: {  	_ =	shalt  }
0x58: {  	_ =	shalt  }
0x59: {  	_ =	shalt  }
0x5a: {  	_ =	shalt  }
0x5b: {  	_ =	shalt  }
0x5c: {  	_ =	shalt  }
0x5d: {  	_ =	shalt  }
0x5e: {  	_ =	shalt  }
0x5f: {  	_ =	shalt  }
0x60: {  	_ =	shalt  }
0x61: {  	_ =	shalt  }
0x62: {  	_ =	shalt  }
0x63: {  	_ =	shalt  }
0x64: {  	_ =	shalt  }
0x65: {  	_ =	shalt  }
0x66: {  	_ =	shalt  }
0x67: {  	_ =	shalt  }
0x68: {  	_ =	shalt  }
0x69: {  	_ =	shalt  }
0x6a: {  	_ =	shalt  }
0x6b: {  	_ =	shalt  }
0x6c: {  	_ =	shalt  }
0x6d: {  	_ =	shalt  }
0x6e: {  	_ =	shalt  }
0x6f: {  	_ =	shalt  }
0x70: {  	_ =	shalt  }
0x71: {  	_ =	shalt  }
0x72: {  	_ =	shalt  }
0x73: {  	_ =	shalt  }
0x74: {  	_ =	shalt  }
0x75: {  	_ =	shalt  }
0x76: {  	_ =	shalt  }
0x77: {  	_ =	shalt  }
0x78: {  	_ =	shalt  }
0x79: {  	_ =	shalt  }
0x7a: {  	_ =	shalt  }
0x7b: {  	_ =	shalt  }
0x7c: {  	_ =	shalt  }
0x7d: {  	_ =	shalt  }
0x7e: {  	_ =	shalt  }
0x7f: {  	_ =	shalt  }
0x80: {  	_ =	shalt  }
0x81: {  	_ =	shalt  }
0x82: {  	_ =	shalt  }
0x83: {  	_ =	shalt  }
0x84: {  	_ =	shalt  }
0x85: {  	_ =	shalt  }
0x86: {  	_ =	shalt  }
0x87: {  	_ =	shalt  }
.Lfunc_end0:
.L_simem_size_0:
called_computation_lowered:
.L_overlay_start_0:
0x88: {  	s2 =	sld [smem:$0x3FD9]  }
0x89: {  	s3 =	sld [smem:$0x3FFE];
	_ =	sdelay $0x1  }
0x8a: {  	s1 =	srdreg.scid  }
0x8b: {  	s0 =	sand.u32 $0x1, s1  }
0x8c: {  	s17 =	sshll.u32 s0, $0xA;
	s2 =	sadd.s32 s3, s2  }
0x8d: {  	s2 =	sadd.s32 s2, s17  }
0x8e: {  	[smem:$0x3FBC] =	sst s2  }
0x8f: {  	_ = 	snop  }
0x90: {  	s2 =	sld [smem:$0x3FD0];
	(tm) =	ssettm $0x1  }
0x91: {  	s18 =	sld [smem:$0x3FFB];
	_ =	sdelay $0x3  }
0x92: {  	_ =	strace s18  }
0x93: {  	s3 =	sld [smem:$0x3FFC];
	_ =	sdelay $0x3  }
0x94: {  	_ =	strace s3  }
0x95: {  	s3 =	sld [smem:$0x3FFD];
	_ =	sdelay $0x3  }
0x96: {  	_ =	strace s3  }
0x97: {  	_ =	strace $0x8FFFFFFF  }
0x98: {  	s19 =	sld [smem:$0x3FDB];
	_ =	sdelay $0x1  }
0x99: {  	s4 =	simm.s32 $_scs_section_size  }
0x9a: {  	s5 =	simm.s32 $_size__tile_overlayer_lowered;
	s6 =	simm.s32 $_tile_overlayer_lowered  }
0x9b: {  	s22 =	simm.s32 $0x1BFF;
	s21 =	sshll.u32 s6, $0x1;
	s3 =	sadd.s32 s4, s19  }
0x9c: {  	s7 =	simm.s32 $0x0;
	s20 =	sshll.u32 s5, $0x1;
	s5 =	sadd.s32 s21, s3  }
0x9d: {  	[timem:s7], [sflag:s22] =	dma.local [hbm:s5], s20  }
0x9e: {  	_ =	swait.ge [sflag:s22], s20  }
0x9f: {  	s4 =	ssub.s32 $0x0, s20;
	[sflag:s22] =	ssyncset.done $0x0  }
0xa0: {  	[sflag:s22] =	ssyncadd.s32 s4;
	_ =	sdelay $0x1  }
0xa1: {  	s23 =	simm.s32 $0x1B8B  }
0xa2: {  	_ =	swait.ge [sflag:s23], $0x1  }
0xa3: {  	[sflag:s23] =	ssyncset.done $0x0  }
0xa4: {  	s25 =	simm.s32 $0x1B8E;
	s24 =	sld [smem:$0x3FFE];
	[sflag:s23] =	ssyncadd.s32 $0xFFFFFFFF  }
0xa5: {  	s26 =	simm.s32 $execute0_lowered;
	[smem:$0x3FD2] =	sst s25  }
0xa6: {  	s5 =	sshll.u32 s26, $0x1;
	_ =	strace $0x80000046;
	[dreg:$0x1] =	wrdreg $0xFFFFFFFF  }
0xa7: {  	s28 =	simm.s32 $_size_execute0_lowered;
	s3 =	sadd.s32 s3, s5;
	[dreg:$0x0] =	wrdreg $0x0  }
0xa8: {  	s5 =	sshll.u32 s28, $0x1;
	[dreg:$0x2] =	wrdreg s3  }
0xa9: {  	[dreg:$0x3] =	wrdreg s5  }
0xaa: {  	[dreg:$0x4] =	wrdreg $0xC0  }
0xab: {  	_ =	task [dreg:s7], $0x5FFFF  }
0xac: {  	[dreg:$0x1] =	wrdreg $0xFFFFFFFF  }
0xad: {  	[dreg:$0x0] =	wrdreg $0x60  }
0xae: {  	[dreg:$0x2] =	wrdreg s24  }
0xaf: {  	[dreg:$0x3] =	wrdreg s2  }
0xb0: {  	[dreg:$0x4] =	wrdreg $0x74000  }
0xb1: {  	[dreg:$0x5] =	wrdreg $0x9  }
0xb2: {  	_ =	task.clear_ibuf [dreg:s7], $0x6FFFF;
	_ =	strace $0x90000046  }
0xb3: {  	s29 =	simm.s32 $0x9;
	_ =	strace $0x80000048  }
0xb4: {  	_ =	swait.ge [sflag:s29], $0x1  }
0xb5: {  	[sflag:s29] =	ssyncadd.s32 $0xFFFFFFFF  }
0xb6: {  	_ =	strace $0x90000048  }
0xb7: {  	_ =	sfence  }
0xb8: {  	s30 =	sld [smem:$0x0];
	_ =	sdelay $0x2  }
0xb9: {  	s31 =	sshll.u32 s1, $0xD;
	s1 =	sshrl.u32 s1, $0x2  }
0xba: {  	s3 =	sand.u32 $0x4000, s31;
	s1 =	sadd.s32 s1, s30  }
0xbb: {  	s0 =	sor.u32 s3, s0;
	s1 =	sshll.u32 s1, $0x11  }
0xbc: {  	s0 =	sor.u32 s1, s0  }
0xbd: {  	s0 =	sadd.s32 $0x8F2B, s0  }
0xbe: {  	[sflag:s0] =	ssyncadd.remote.s32 $0x1  }
0xbf: {  	_ =	sfence.sel $0xFFFF  }
0xc0: {  	[dreg:$0x0] =	wrdreg $0xFFFFFFFF;
	(pc) =	sbr.abs _section_cstart, $3  }
0xc1: {  	[dreg:$0x1] =	wrdreg $0xFFFFFFFF  }
0xc2: {  	_ =	task.clear_ibuf [dreg:s7], $0x2FFFF;
	_ =	strace $0x9FFFFFFF  }
0xc3: {  	(tm) =	ssettm $0x7FFFFFFF  }
tec
execute0_lowered:
.L_overlay_start_1:
0x0: {  	(tag) =	ssettag $0x1  }
0x1: {  	s0 =	rddreg [dreg:$0x0]  }
0x2: {  	s1 =	rddreg [dreg:$0x1]  }
0x3: {  	s2 =	rddreg [dreg:$0x2];
	s3 =	srdreg.scid  }
0x4: {  	s4 =	simm.s32 $0x0;
	s9 =	stileid.u32;
	s28 =	simm.s32 $0x400  }
0x5: {  	s29 =	simm.s32 $0x80;
	s30 =	simm.s32 $0x1;
	s31 =	simm.s32 $0x4  }
0x6: {  	s11 =	simm.s32 $0x0;
	s3 =	sand.u32 $0x1, s3;
	[smem:$0x7FF] =	sst s4  }
0x7: {  	s7 =	smul.u32 $0x13C00, s9;
	s8 =	sshll.u32 s9, $0x1;
	s5 =	sadd.s32 $0x2200, s0  }
0x8: {  	s6 =	smul.u32 $0x13C000, s3;
	s8 =	sor.u32 s3, s8;
	s3 =	ssub.s32 $0x2, s3  }
0x9: {  	s9 =	smul.u32 $0x4F000, s9;
	_ =	strace $0x80000047;
	s19 =	sshrl.u32 s3, $0x1  }
0xa: {  	s7 =	sadd.s32 s7, s6;
	s6 =	smul.u32 $0x2C00, s8;
	s3 =	ssub.s32 s3, s19  }
0xb: {  	s9 =	sshrl.u32 s9, $0x2;
	s7 =	sshrl.u32 s7, $0x3;
	s19 =	smax.u32 s3, $0x1  }
0xc: {  	s0 =	sadd.s32 s7, s0;
	s7 =	sadd.s32 $0x58000, s6;
	s20 =	sshrl.u32 s6, $0x3  }
0xd: {  	s3 =	simm.s32 $0x180;
	s10 =	sshrl.u32 s7, $0x3;
	s8 =	sadd.s32 s1, s20  }
0xe: {  	s18 =	sadd.s32 $0x77600, s0;
	s20 =	simm.s32 $0x100;
	s10 =	sadd.s32 s1, s10  }
0xf: {  	s0 =	simm.s32 $0x2;
	s21 =	sadd.s32 $0x20, s8;
	[dreg:$0x4] =	wrdreg s10  }
0x10: {  	s22 =	sadd.s32 $0xB020, s8;
	s10 =	sadd.s32 s9, s2;
	[dreg:$0x5] =	wrdreg s21  }
0x11: {  	[dreg:$0x6] =	wrdreg s22;
	s21 =	simm.s32 $0x200;
	s23 =	sadd.s32 $0x3800, s10  }
.Ltmp0:
0x12: {  	s24 =	sadd.s32 $0x7000, s10;
	[dreg:$0x7] =	wrdreg s23;
	(pc) =	sbr.rel .LBB2_1-.Ltmp0, $4  }
0x13: {  	s22 =	simm.s32 $0x300;
	s25 =	sadd.s32 $0xA800, s10;
	[dreg:$0x8] =	wrdreg s24  }
0x14: {  	s9 =	simm.s32 $0x380;
	s26 =	sadd.s32 $0xE000, s10;
	[dreg:$0x9] =	wrdreg s25  }
0x15: {  	s17 =	sadd.s32 $0x11800, s10;
	[dreg:$0xa] =	wrdreg s26;
	s23 =	simm.s32 $0x3C00  }
0x16: {  	v0 =	vimm.f32 $0.0e+00;
	s24 =	simm.s32 $0x5;
	s25 =	simm.s32 $0x3;
	s26 =	simm.s32 $0x70  }
.LBB2_6:
0x17: {  	s12 =	stileid.u32;
	s11 =	sadd.s32 $0x1, s11  }
0x18: {  	[bflag:$0x0] =	sbarrier.arrive $0xFFFF;
	s12 =	sshll.u32 s12, $0x6;
	p0 =	sne.s32 s11, s19  }
.Ltmp1:
0x19: {  	s13 =	sshrl.u32 s10, $0x3;
	s12 =	sor.u32 $0x1C05, s12;
	(pc) =	sbr.rel @!p0 .LBB2_7-.Ltmp1, $4  }
0x1a: {  	[hbm:s18], [sflag:s12] =	dma.local [spmem:s13], $0x2780  }
0x1b: {  	_ =	swait.ge [sflag:s24], $0x2780  }
0x1c: {  	[sflag:s24] =	ssyncset.done $0x0  }
0x1d: {  	[sflag:s24] =	ssyncadd.s32 $0xFFFFD880  }
.LBB2_1:
0x1e: {  	[tilespmem:s4], [sflag:$0x3] =	stream.linear.gather [hbm4b:s8+s4], $0x100, $0x38;
	[tilespmem:$0x1B000] =	vst v63  }
0x1f: {  	s12 =	rddreg [dreg:$0x4]  }
0x20: {  	[tilespmem:s20], [sflag:$0x3] =	stream.linear.gather [hbm4b:s12+s4], $0x100, $0x38;
	[tilespmem:$0x1B000] =	vst v63  }
0x21: {  	s14 =	rddreg [dreg:$0x5];
	s16 =	sand.u32 $0xFE00, s4  }
0x22: {  	[tilespmem:s21], [sflag:$0x4] =	stream.linear.gather [hbm4b:s14+s4], $0x100, $0x38;
	[tilespmem:$0x1B000] =	vst v63  }
0x23: {  	s15 =	rddreg [dreg:$0x6];
	s13 =	sand.u32 $0x70, s4;
	s14 =	sshrl.u32 s16, $0x2  }
0x24: {  	s12 =	simm.s32 $0x40;
	s14 =	sor.u32 s13, s14;
	s13 =	simm.s32 $0x0  }
0x25: {  	[tilespmem:s22], [sflag:$0x4] =	stream.linear.gather [hbm4b:s15+s4], $0x100, $0x38;
	[tilespmem:$0x1B000] =	vst v63  }
.LBB2_2:
0x26: {  	p0 =	sne.s32 s12, $0xDFC0  }
0x27: {  	[tilespmem:s14+$0x3C00] =	vst v0;
	s13 =	sadd.s32 $0x10, s13;
	s14 =	smov.u32 s12;
	s12 =	sadd.s32 $0x40, s12  }
.Ltmp2:
0x28: {  	(pc) =	sbr.rel @p0 .LBB2_2-.Ltmp2, $4  }
0x29: {  	_ = 	snop  }
0x2a: {  	s14 =	sand.u32 $0xFE00, s14  }
0x2b: {  	s15 =	sand.u32 $0x70, s13;
	s14 =	sshrl.u32 s14, $0x2  }
0x2c: {  	s14 =	sor.u32 s15, s14  }
0x2d: {  	[tilespmem:s14+$0x3C00] =	vst v0  }
0x2e: {  	[spmem:s10] =	stream.linear.scatter [tilespmem:s23], [sflag:$0x5], $0x3800, $0x38;
	[tilespmem:$0x1B000] =	vst v63  }
0x2f: {  	_ =	swait.ge [sflag:s24], $0x3800  }
0x30: {  	[sflag:s24] =	ssyncset.done $0x0  }
0x31: {  	s12 =	rddreg [dreg:$0x7];
	[sflag:s24] =	ssyncadd.s32 $0xFFFFC800  }
0x32: {  	[spmem:s12] =	stream.linear.scatter [tilespmem:s23], [sflag:$0x5], $0x3800, $0x38;
	[tilespmem:$0x1B000] =	vst v63  }
0x33: {  	_ =	swait.ge [sflag:s24], $0x3800  }
0x34: {  	[sflag:s24] =	ssyncset.done $0x0  }
0x35: {  	s14 =	rddreg [dreg:$0x8];
	[sflag:s24] =	ssyncadd.s32 $0xFFFFC800  }
0x36: {  	[spmem:s14] =	stream.linear.scatter [tilespmem:s23], [sflag:$0x5], $0x3800, $0x38;
	[tilespmem:$0x1B000] =	vst v63  }
0x37: {  	_ =	swait.ge [sflag:s24], $0x3800  }
0x38: {  	[sflag:s24] =	ssyncset.done $0x0  }
0x39: {  	s15 =	rddreg [dreg:$0x9];
	[sflag:s24] =	ssyncadd.s32 $0xFFFFC800  }
0x3a: {  	[spmem:s15] =	stream.linear.scatter [tilespmem:s23], [sflag:$0x5], $0x3800, $0x38;
	[tilespmem:$0x1B000] =	vst v63  }
0x3b: {  	_ =	swait.ge [sflag:s24], $0x3800  }
0x3c: {  	[sflag:s24] =	ssyncset.done $0x0  }
0x3d: {  	s16 =	rddreg [dreg:$0xa];
	[sflag:s24] =	ssyncadd.s32 $0xFFFFC800  }
0x3e: {  	[spmem:s16] =	stream.linear.scatter [tilespmem:s23], [sflag:$0x5], $0x3800, $0x38;
	[tilespmem:$0x1B000] =	vst v63  }
0x3f: {  	_ =	swait.ge [sflag:s24], $0x3800  }
0x40: {  	[sflag:s24] =	ssyncset.done $0x0  }
0x41: {  	[sflag:s24] =	ssyncadd.s32 $0xFFFFC800  }
0x42: {  	[spmem:s17] =	stream.linear.scatter [tilespmem:s23], [sflag:$0x5], $0x2400, $0x38;
	[tilespmem:$0x1B000] =	vst v63  }
0x43: {  	_ =	swait.ge [sflag:s24], $0x2400  }
0x44: {  	[sflag:s24] =	ssyncset.done $0x0  }
0x45: {  	[sflag:s24] =	ssyncadd.s32 $0xFFFFDC00  }
0x46: {  	[bflag:$0x0] =	sbarrier.arrive $0xFFFF  }
0x47: {  	_ =	swait.ge [sflag:s25], $0x100  }
0x48: {  	[sflag:s25] =	ssyncset.done $0x0  }
0x49: {  	[sflag:s25] =	ssyncadd.s32 $0xFFFFFF00  }
0x4a: {  	_ =	swait.ge [sflag:s25], $0x100  }
0x4b: {  	[sflag:s25] =	ssyncset.done $0x0  }
0x4c: {  	s12 =	simm.s32 $0x300;
	[sflag:s25] =	ssyncadd.s32 $0xFFFFFF00  }
0x4d: {  	[tilespmem:s28], [sflag:$0x1] =	stream.indirect.gather [hbm4b:s5+s26], $0x80, s4, s26, $0xb8;
	[tilespmem:$0x1B000] =	vst v63  }
.LBB2_4:
0x4e: {  	[tilespmem:s23], [sflag:$0x2] =	stream.indirect.gather [hbm4b:s5+s26], $0x80, s29, s26, $0xb8;
	[tilespmem:$0x1B000] =	vst v63  }
0x4f: {  	_ =	swait.ge [sflag:s30], $0x3800  }
0x50: {  	[sflag:s30] =	ssyncset.done $0x0  }
0x51: {  	[sflag:s30] =	ssyncadd.s32 $0xFFFFC800  }
0x52: {  	[spmem:s2] =	stream.indirect.scatter.add.f32 [tilespmem:s28], [sflag:$0x5], $0x80, s20, s26, $0xb8;
	[tilespmem:$0x1B000] =	vst v63  }
0x53: {  	_ =	swait.ge [sflag:s24], $0x3800  }
0x54: {  	[sflag:s24] =	ssyncset.done $0x0  }
0x55: {  	[sflag:s24] =	ssyncadd.s32 $0xFFFFC800  }
0x56: {  	_ =	swait.ge [sflag:s31], $0x100  }
0x57: {  	[sflag:s31] =	ssyncset.done $0x0  }
0x58: {  	[sflag:s31] =	ssyncadd.s32 $0xFFFFFF00  }
0x59: {  	_ =	swait.ge [sflag:s31], $0x100  }
0x5a: {  	[sflag:s31] =	ssyncset.done $0x0  }
0x5b: {  	[sflag:s31] =	ssyncadd.s32 $0xFFFFFF00  }
0x5c: {  	[tilespmem:s28], [sflag:$0x1] =	stream.indirect.gather [hbm4b:s5+s26], $0x80, s21, s26, $0xb8;
	[tilespmem:$0x1B000] =	vst v63  }
0x5d: {  	_ =	swait.ge [sflag:s0], $0x3800  }
0x5e: {  	[sflag:s0] =	ssyncset.done $0x0  }
0x5f: {  	[sflag:s0] =	ssyncadd.s32 $0xFFFFC800  }
0x60: {  	[spmem:s2] =	stream.indirect.scatter.add.f32 [tilespmem:s23], [sflag:$0x5], $0x80, s3, s26, $0xb8;
	[tilespmem:$0x1B000] =	vst v63  }
0x61: {  	p0 =	seq.s32 s12, $0x2B00;
	_ =	swait.ge [sflag:s24], $0x3800  }
0x62: {  	s13 =	simm.s32 @p0 $0x70;
	[sflag:s24] =	ssyncset.done $0x0  }
0x63: {  	s14 =	simm.s32 @p0 $0x280;
	s15 =	simm.s32 @p0 $0x3C00;
	[sflag:s24] =	ssyncadd.s32 $0xFFFFC800  }
0x64: {  	[tilespmem:s15], [sflag:$0x2] =	stream.indirect.gather @p0 [hbm4b:s5+s13], $0x80, s14, s13, $0xb8;
	[tilespmem:$0x1B000] =	vst v63  }
0x65: {  	s14 =	simm.s32 @p0 $0x1  }
0x66: {  	_ =	swait.ge @p0 [sflag:s14], $0x3800  }
0x67: {  	[sflag:s14] =	ssyncset.done @p0 $0x0  }
0x68: {  	s15 =	simm.s32 @p0 $0x400;
	[sflag:s14] =	ssyncadd.s32 @p0 $0xFFFFC800;
	s14 =	simm.s32 @p0 $0x300  }
0x69: {  	[spmem:s2] =	stream.indirect.scatter.add.f32 @p0 [tilespmem:s15], [sflag:$0x5], $0x80, s14, s13, $0xb8;
	[tilespmem:$0x1B000] =	vst v63  }
0x6a: {  	s13 =	sadd.s32 @!p0 $0xFFFFFF00, s12  }
0x6b: {  	s15 =	simm.s32 @p0 $0x5;
	s14 =	sand.u32 @!p0 $0x7C00, s13  }
0x6c: {  	s13 =	sand.u32 @!p0 $0x200, s13;
	_ =	swait.ge @p0 [sflag:s15], $0x3800;
	s16 =	sadd.s32 @!p0 s6, s14  }
0x6d: {  	[sflag:s15] =	ssyncset.done @p0 $0x0;
	s14 =	sadd.s32 @!p0 s7, s14;
	s16 =	sor.u32 @!p0 s13, s16  }
0x6e: {  	[sflag:s15] =	ssyncadd.s32 @p0 $0xFFFFC800;
	s13 =	sor.u32 @!p0 s13, s14;
	s16 =	sshrl.u32 @!p0 s16, $0x3  }
0x6f: {  	s13 =	sshrl.u32 @!p0 s13, $0x3;
	s15 =	sadd.s32 @!p0 s1, s16;
	s16 =	simm.s32 @!p0 $0x0  }
0x70: {  	[tilespmem:s16], [sflag:$0x3] =	stream.linear.gather @!p0 [hbm4b:s15+s16], $0x100, $0x38;
	[tilespmem:$0x1B000] =	vst v63  }
0x71: {  	s14 =	simm.s32 @!p0 $0x100;
	s13 =	sadd.s32 @!p0 s1, s13  }
0x72: {  	[tilespmem:s14], [sflag:$0x3] =	stream.linear.gather @!p0 [hbm4b:s13+s16], $0x100, $0x38;
	[tilespmem:$0x1B000] =	vst v63  }
0x73: {  	s15 =	simm.s32 @!p0 $0x3C00;
	s13 =	simm.s32 @!p0 $0x70;
	s14 =	simm.s32 @!p0 $0x280  }
0x74: {  	[tilespmem:s15], [sflag:$0x2] =	stream.indirect.gather @!p0 [hbm4b:s5+s13], $0x80, s14, s13, $0xb8;
	[tilespmem:$0x1B000] =	vst v63  }
0x75: {  	s14 =	simm.s32 @!p0 $0x1  }
0x76: {  	_ =	swait.ge @!p0 [sflag:s14], $0x3800  }
0x77: {  	[sflag:s14] =	ssyncset.done @!p0 $0x0  }
0x78: {  	s15 =	simm.s32 @!p0 $0x400;
	[sflag:s14] =	ssyncadd.s32 @!p0 $0xFFFFC800;
	s14 =	simm.s32 @!p0 $0x300  }
0x79: {  	[spmem:s2] =	stream.indirect.scatter.add.f32 @!p0 [tilespmem:s15], [sflag:$0x5], $0x80, s14, s13, $0xb8;
	[tilespmem:$0x1B000] =	vst v63  }
0x7a: {  	s14 =	simm.s32 @!p0 $0x5  }
0x7b: {  	_ =	swait.ge @!p0 [sflag:s14], $0x3800  }
0x7c: {  	[sflag:s14] =	ssyncset.done @!p0 $0x0  }
0x7d: {  	[sflag:s14] =	ssyncadd.s32 @!p0 $0xFFFFC800;
	s14 =	simm.s32 @!p0 $0x3  }
0x7e: {  	_ =	swait.ge @!p0 [sflag:s14], $0x100  }
0x7f: {  	[sflag:s14] =	ssyncset.done @!p0 $0x0  }
0x80: {  	[sflag:s14] =	ssyncadd.s32 @!p0 $0xFFFFFF00  }
0x81: {  	_ =	swait.ge @!p0 [sflag:s14], $0x100  }
0x82: {  	[sflag:s14] =	ssyncset.done @!p0 $0x0  }
0x83: {  	[sflag:s14] =	ssyncadd.s32 @!p0 $0xFFFFFF00  }
0x84: {  	[tilespmem:s15], [sflag:$0x1] =	stream.indirect.gather @!p0 [hbm4b:s5+s13], $0x80, s16, s13, $0xb8;
	[tilespmem:$0x1B000] =	vst v63  }
0x85: {  	_ =	swait.ge [sflag:s0], $0x3800  }
0x86: {  	[sflag:s0] =	ssyncset.done $0x0  }
.Ltmp3:
0x87: {  	[sflag:s0] =	ssyncadd.s32 $0xFFFFC800;
	(pc) =	sbr.rel @p0 .LBB2_6-.Ltmp3, $4  }
0x88: {  	[spmem:s2] =	stream.indirect.scatter.add.f32 [tilespmem:s23], [sflag:$0x5], $0x80, s9, s26, $0xb8;
	[tilespmem:$0x1B000] =	vst v63  }
0x89: {  	_ =	swait.ge [sflag:s24], $0x3800  }
0x8a: {  	[sflag:s24] =	ssyncset.done $0x0  }
0x8b: {  	[sflag:s24] =	ssyncadd.s32 $0xFFFFC800  }
0x8c: {  	s13 =	sand.u32 $0x7C00, s12  }
0x8d: {  	s15 =	sand.u32 $0x300, s12;
	s14 =	sadd.s32 s6, s13  }
0x8e: {  	s13 =	sadd.s32 s7, s13;
	s14 =	sor.u32 s15, s14  }
.Ltmp4:
0x8f: {  	s13 =	sor.u32 s15, s13;
	s14 =	sshrl.u32 s14, $0x3;
	(pc) =	sbr.rel .LBB2_4-.Ltmp4, $4  }
0x90: {  	s13 =	sshrl.u32 s13, $0x3;
	s14 =	sadd.s32 s1, s14  }
0x91: {  	[tilespmem:s21], [sflag:$0x4] =	stream.linear.gather [hbm4b:s14+s4], $0x100, $0x38;
	[tilespmem:$0x1B000] =	vst v63  }
0x92: {  	s12 =	sadd.s32 $0x200, s12;
	s13 =	sadd.s32 s1, s13  }
0x93: {  	[tilespmem:s22], [sflag:$0x4] =	stream.linear.gather [hbm4b:s13+s4], $0x100, $0x38;
	[tilespmem:$0x1B000] =	vst v63  }
.LBB2_7:
0x94: {  	_ =	sfence.sel $0x180000  }
0x95: {  	[bflag:$0x0] =	sbarrier.arrive $0xFFFF  }
0x96: {  	_ =	strace $0x90000047  }
0x97: {  	s0 =	stileid.u32;
	[bflag:$0x2] =	sbarrier.arrive $0xFFFF  }
0x98: {  	p0 =	sne.s32 s0, $0x0;
	s0 =	rddreg [dreg:$0x3]  }
0x99: {  	s0 =	sadd.s32 @!p0 $0x100000, s0  }
0x9a: {  	[sflag:s0] =	ssyncadd.tile.s32 @!p0 $0x1;
	_ =	shalt  }
.Lfunc_end2:
_tile_overlayer_lowered:
.L_overlay_start_2:
0x9b: {  	(tag) =	ssettag $0x2  }
0x9c: {  	s0 =	rddreg [dreg:$0x0];
	s2 =	stileid.u32  }
0x9d: {  	s1 =	rddreg [dreg:$0x1];
	p0 =	sne.s32 s2, $0x0  }
0x9e: {  	s3 =	rddreg [dreg:$0x2];
	[bflag:$0x3] =	sbarrier.arrive $0xFFFF;
	s2 =	simm.s32 @!p0 $0x1C05  }
0x9f: {  	[timem:s3], [sflag:s2] =	dma.local @!p0 [hbm:s0], s1  }
0xa0: {  	s0 =	simm.s32 @!p0 $0x5  }
0xa1: {  	_ =	swait.ge @!p0 [sflag:s0], s1  }
0xa2: {  	s1 =	ssub.s32 @!p0 $0x0, s1;
	[sflag:s0] =	ssyncset.done @!p0 $0x0  }
0xa3: {  	[sflag:s0] =	ssyncadd.s32 @!p0 s1  }
0xa4: {  	[bflag:$0x3] =	sbarrier.arrive $0xFFFF  }
0xa5: {  	_ =	shalt  }

</sc_bundles>
